<compile_context>
chip_gen: v7x
topology: tpu7x:2x2x1
jax: 0.10.2.dev20260603
libtpu: 0.0.44.dev20260713+nightly
codegen_flags: <defaults>
</compile_context>

<pallas_src>
import functools

import jax
import jax.numpy as jnp
from jax import lax
from jax.experimental import pallas as pl
from jax.experimental.pallas import tpu as pltpu
from jax.experimental.pallas import tpu_sc as plsc

N_NODES = 10000
N_EDGES = 320000
DIM = 128
NUM_REL = 8
K = NUM_REL * N_NODES

NC = 2
NS = 16
NW = NC * NS
EDGES_PER_W = N_EDGES // NW
CHUNK = 80
NCHUNK = EDGES_PER_W // CHUNK

KPAD = 81920
DPAD = 10240


def _mm_body(x_ref, w_ref, c_ref, g_ref, b_ref, y_ref, ab_ref, t1_ref, t2_ref):
    i = pl.program_id(0)

    @pl.when(i == 0)
    def _():
        t1_ref[...] = jnp.zeros_like(t1_ref)
        t2_ref[...] = jnp.zeros_like(t2_ref)

    yb = jnp.maximum(
        jnp.dot(x_ref[...], w_ref[...], preferred_element_type=jnp.float32), 0.0)
    y_ref[...] = yb

    cm = jnp.sum(c_ref[...], axis=0)
    r1 = jnp.dot(cm, yb, preferred_element_type=jnp.float32)
    r2 = jnp.dot(cm, yb * yb, preferred_element_type=jnp.float32)
    for r in range(NUM_REL):
        t1_ref[...] += r1[r:r + 1, r * DIM:(r + 1) * DIM]
        t2_ref[...] += r2[r:r + 1, r * DIM:(r + 1) * DIM]

    @pl.when(i == pl.num_programs(0) - 1)
    def _():
        mean = t1_ref[...] / N_EDGES
        var = t2_ref[...] / N_EDGES - mean * mean
        a = g_ref[...] * lax.rsqrt(var + 1e-5)
        b = b_ref[...] - mean * a
        ab_ref[0:1, :] = a
        ab_ref[1:2, :] = b


def _relu_xw_stats(x, wc, c5, gamma, beta):
    return pl.pallas_call(
        _mm_body,
        grid=(10,),
        in_specs=[
            pl.BlockSpec((1024, DIM), lambda i: (i, 0)),
            pl.BlockSpec((DIM, NUM_REL * DIM), lambda i: (0, 0)),
            pl.BlockSpec((NW, NUM_REL, 1024), lambda i: (0, 0, i)),
            pl.BlockSpec((1, DIM), lambda i: (0, 0)),
            pl.BlockSpec((1, DIM), lambda i: (0, 0)),
        ],
        out_specs=[
            pl.BlockSpec((1024, NUM_REL * DIM), lambda i: (i, 0)),
            pl.BlockSpec((2, DIM), lambda i: (0, 0)),
        ],
        out_shape=[
            jax.ShapeDtypeStruct((DPAD, NUM_REL * DIM), jnp.float32),
            jax.ShapeDtypeStruct((2, DIM), jnp.float32),
        ],
        scratch_shapes=[
            pltpu.VMEM((1, DIM), jnp.float32),
            pltpu.VMEM((1, DIM), jnp.float32),
        ],
    )(x, wc, c5, gamma, beta)


def _sc_hist_kernel(srcrel_hbm, dst_hbm, c_out, deg_out,
                    hist_c, hist_deg, srcrel_v, dst_v):
    c = lax.axis_index("c")
    s = lax.axis_index("s")
    wid = c * NS + s

    ones = jnp.full((16,), 1.0, jnp.float32)

    def _zhc(i, _):
        for g in range(8):
            hist_c[pl.ds(i * 128 + g * 16, 16)] = jnp.zeros((16,), jnp.float32)
        return _
    lax.fori_loop(0, KPAD // 128, _zhc, None)

    def _zhd(i, _):
        for g in range(8):
            hist_deg[pl.ds(i * 128 + g * 16, 16)] = jnp.zeros((16,), jnp.float32)
        return _
    lax.fori_loop(0, DPAD // 128, _zhd, None)

    pltpu.sync_copy(srcrel_hbm.at[pl.ds(wid * EDGES_PER_W, EDGES_PER_W)], srcrel_v)
    pltpu.sync_copy(dst_hbm.at[pl.ds(wid * EDGES_PER_W, EDGES_PER_W)], dst_v)

    def _edge(g, _):
        sr = srcrel_v[pl.ds(g * 16, 16)]
        plsc.addupdate_scatter(hist_c, [sr], ones)
        dv = dst_v[pl.ds(g * 16, 16)]
        plsc.addupdate_scatter(hist_deg, [dv], ones)
        return _
    lax.fori_loop(0, EDGES_PER_W // 16, _edge, None)

    pltpu.sync_copy(hist_c, c_out.at[pl.ds(wid * KPAD, KPAD)])
    pltpu.sync_copy(hist_deg, deg_out.at[pl.ds(wid * DPAD, DPAD)])


def _sc_hist_stage(srcrel, dst):
    mesh = plsc.VectorSubcoreMesh(core_axis_name="c", subcore_axis_name="s")
    kern = functools.partial(
        pl.kernel,
        out_type=[
            jax.ShapeDtypeStruct((NW * KPAD,), jnp.float32),
            jax.ShapeDtypeStruct((NW * DPAD,), jnp.float32),
        ],
        mesh=mesh,
        compiler_params=pltpu.CompilerParams(needs_layout_passes=False),
        scratch_types=[
            pltpu.VMEM((KPAD,), jnp.float32),
            pltpu.VMEM((DPAD,), jnp.float32),
            pltpu.VMEM((EDGES_PER_W,), jnp.int32),
            pltpu.VMEM((EDGES_PER_W,), jnp.int32),
        ],
    )(_sc_hist_kernel)
    return kern(srcrel, dst)


CH = 80
NCH = EDGES_PER_W // CH


def _sc_acc_kernel(srcrel_hbm, dst_hbm, y_hbm, acc_out,
                   acc_sh, r0, r1, r2, i0, i1, i2, dst_v,
                   g0, g1, g2, s0, s1, s2, p0, p1, p2):
    c = lax.axis_index("c")
    s = lax.axis_index("s")
    wid = c * NS + s
    ebase = wid * EDGES_PER_W

    rbuf = (r0, r1, r2)
    ibuf = (i0, i1, i2)
    gsem = (g0, g1, g2)
    ssem = (s0, s1, s2)
    isem = (p0, p1, p2)

    def _zrow(i, _):
        for g in range(8):
            r0[i, pl.ds(g * 16, 16)] = jnp.zeros((16,), jnp.float32)
        return _
    lax.fori_loop(0, CH, _zrow, None)

    def _zacc(i, _):
        blk = s + NS * i
        @pl.when(blk < N_NODES // 80)
        def _():
            pltpu.sync_copy(r0.at[pl.ds(0, 80)], acc_sh.at[pl.ds(blk * 80, 80)])
        return _
    lax.fori_loop(0, (N_NODES // 80 + NS - 1) // NS, _zacc, None)

    pltpu.sync_copy(dst_hbm.at[wid], dst_v)

    plsc.subcore_barrier()

    def _idx_load(i, k):
        pltpu.async_copy(srcrel_hbm.at[pl.ds(ebase + i * CH, CH)], ibuf[k], isem[k])

    def _idx_wait(i, k):
        pltpu.make_async_copy(
            srcrel_hbm.at[pl.ds(ebase + i * CH, CH)], ibuf[k], isem[k]).wait()

    _idx_load(0, 0)
    _idx_load(1, 1)
    _idx_wait(0, 0)
    pltpu.async_copy(y_hbm.at[ibuf[0]], rbuf[0], gsem[0])

    def _emit(i, k):
        k1 = (k + 1) % 3
        k2 = (k + 2) % 3

        @pl.when(i >= 2)
        def _():
            pltpu.make_async_copy(rbuf[k1], acc_sh.at[dst_v.at[i - 2]],
                                  ssem[k1]).wait()
        _idx_wait(i + 1, k1)
        pltpu.async_copy(y_hbm.at[ibuf[k1]], rbuf[k1], gsem[k1])
        _idx_load(i + 2, k2)
        pltpu.make_async_copy(y_hbm.at[ibuf[k]], rbuf[k], gsem[k]).wait()
        pltpu.async_copy(rbuf[k], acc_sh.at[dst_v.at[i]], ssem[k], add=True)

    def _step(j, _):
        _emit(3 * j, 0)
        _emit(3 * j + 1, 1)
        _emit(3 * j + 2, 2)
        return _
    lax.fori_loop(0, (NCH - 2) // 3, _step, None)

    pltpu.make_async_copy(rbuf[1], acc_sh.at[dst_v.at[121]], ssem[1]).wait()
    _idx_wait(124, 1)
    pltpu.async_copy(y_hbm.at[ibuf[1]], rbuf[1], gsem[1])
    pltpu.make_async_copy(y_hbm.at[ibuf[0]], rbuf[0], gsem[0]).wait()
    pltpu.async_copy(rbuf[0], acc_sh.at[dst_v.at[123]], ssem[0], add=True)

    pltpu.make_async_copy(rbuf[2], acc_sh.at[dst_v.at[122]], ssem[2]).wait()
    pltpu.make_async_copy(y_hbm.at[ibuf[1]], rbuf[1], gsem[1]).wait()
    pltpu.async_copy(rbuf[1], acc_sh.at[dst_v.at[124]], ssem[1], add=True)

    pltpu.make_async_copy(rbuf[0], acc_sh.at[dst_v.at[123]], ssem[0]).wait()
    pltpu.make_async_copy(rbuf[1], acc_sh.at[dst_v.at[124]], ssem[1]).wait()

    plsc.subcore_barrier()

    @pl.when(s < 15)
    def _():
        pltpu.sync_copy(acc_sh.at[pl.ds(s * 640, 640)],
                        acc_out.at[c, pl.ds(s * 640, 640)])

    @pl.when(s == 15)
    def _():
        pltpu.sync_copy(acc_sh.at[pl.ds(9600, 400)],
                        acc_out.at[c, pl.ds(9600, 400)])


def _sc_acc_stage(srcrel3, dst3, y):
    mesh = plsc.VectorSubcoreMesh(core_axis_name="c", subcore_axis_name="s")
    kern = functools.partial(
        pl.kernel,
        out_type=jax.ShapeDtypeStruct((NC, N_NODES, DIM), jnp.float32),
        mesh=mesh,
        compiler_params=pltpu.CompilerParams(needs_layout_passes=False),
        scratch_types=[
            pltpu.VMEM_SHARED((N_NODES, DIM), jnp.float32),
            pltpu.VMEM((CH, DIM), jnp.float32),
            pltpu.VMEM((CH, DIM), jnp.float32),
            pltpu.VMEM((CH, DIM), jnp.float32),
            pltpu.VMEM((CH,), jnp.int32),
            pltpu.VMEM((CH,), jnp.int32),
            pltpu.VMEM((CH,), jnp.int32),
            pltpu.VMEM((NCH, CH), jnp.int32),
        ] + [pltpu.SemaphoreType.DMA] * 9,
    )(_sc_acc_kernel)
    return kern(srcrel3, dst3, y)


def _c2_body(acc_ref, deg_ref, ab_ref, out_ref):
    sums = acc_ref[0] + acc_ref[1]
    d = deg_ref[...]
    a = ab_ref[0:1, :]
    b = ab_ref[1:2, :]
    safe = jnp.where(d > 0, d, 1.0)
    out_ref[...] = jnp.where(d > 0, (sums / safe) * a + b, 0.0)


def _c2_stage(acc, deg2, ab):
    return pl.pallas_call(
        _c2_body,
        grid=(10,),
        in_specs=[
            pl.BlockSpec((2, 1000, DIM), lambda i: (0, i, 0)),
            pl.BlockSpec((1000, 1), lambda i: (i, 0)),
            pl.BlockSpec((2, DIM), lambda i: (0, 0)),
        ],
        out_specs=pl.BlockSpec((1000, DIM), lambda i: (i, 0)),
        out_shape=jax.ShapeDtypeStruct((N_NODES, DIM), jnp.float32),
    )(acc, deg2, ab)


def kernel(x, edge_index, edge_type, weight, bn_gamma, bn_beta):
    src = edge_index[0].astype(jnp.int32)
    dst = edge_index[1].astype(jnp.int32)
    rel = edge_type.astype(jnp.int32)
    srcrel = src * jnp.int32(NUM_REL) + rel
    chist = rel * jnp.int32(DPAD) + src

    c_t, deg_t = _sc_hist_stage(chist, dst)
    c5 = c_t.reshape(NW, NUM_REL, DPAD)
    wc = weight.transpose(1, 0, 2).reshape(DIM, NUM_REL * DIM)
    x_pad = jnp.pad(x, ((0, DPAD - N_NODES), (0, 0)))
    y, ab = _relu_xw_stats(x_pad, wc, c5, bn_gamma.reshape(1, DIM),
                           bn_beta.reshape(1, DIM))
    acc = _sc_acc_stage(srcrel, dst.reshape(NW, NCH, CH), y.reshape(KPAD, DIM))

    deg = deg_t.reshape(NW, DPAD).sum(axis=0)[:N_NODES].reshape(N_NODES, 1)
    return _c2_stage(acc, deg, ab)

# --- scband reference (transcript-rebuilt; emitter-appended) ---
"""Pipeline reference for scband-meanlayer-58652073394402 (READ-ONLY COPY).

The authoritative reference and input builder live on the scoring server;
editing this copy changes nothing except your own understanding.
"""

import jax, jax.numpy as jnp
import numpy as np

N_NODES = 10000
N_EDGES = 320000
INP_DIM = 128
OUT_DIM = 128
NUM_REL = 8


def setup_inputs(seed: int = 0) -> dict:
    key = jax.random.key(seed)
    k1, k2, k3, k4 = jax.random.split(key, 4)
    x = jax.random.normal(k1, (N_NODES, INP_DIM), dtype=jnp.float32)
    edge_index = jax.random.randint(k2, (2, N_EDGES), 0, N_NODES, dtype=jnp.int64)
    edge_type = jax.random.randint(k3, (N_EDGES,), 0, NUM_REL, dtype=jnp.int64)
    # relation weights: xavier_uniform with gain for relu = sqrt(2)
    gain = float(np.sqrt(2.0))
    fan_in, fan_out = INP_DIM, OUT_DIM
    bound = gain * float(np.sqrt(6.0 / (fan_in + fan_out)))
    weight = jax.random.uniform(k4, (NUM_REL, INP_DIM, OUT_DIM), dtype=jnp.float32, minval=-bound, maxval=bound)
    bn_gamma = jnp.ones((OUT_DIM,), dtype=jnp.float32)
    bn_beta = jnp.zeros((OUT_DIM,), dtype=jnp.float32)
    return {"x": x, "edge_index": edge_index, "edge_type": edge_type, "weight": weight, "bn_gamma": bn_gamma, "bn_beta": bn_beta}


def reference(x, edge_index, edge_type, weight, bn_gamma, bn_beta):
    src = edge_index[0]
    dst = edge_index[1]
    # msg_func: gather src features and per-edge relation weight, bmm, relu
    h_src = jnp.take(x, src, axis=0)                 # [E, inp_dim]
    w = jnp.take(weight, edge_type, axis=0)          # [E, inp_dim, out_dim]
    msg = jax.nn.relu(jnp.einsum('ed,edo->eo', h_src, w))  # [E, out_dim]
    # BatchNorm1d over the edge/message batch dimension (training mode, biased var)
    mean = jnp.mean(msg, axis=0)
    var = jnp.mean((msg - mean) ** 2, axis=0)
    norm_msg = (msg - mean) / jnp.sqrt(var + 1e-5) * bn_gamma + bn_beta
    # reduce_func: mean over incoming messages per destination node
    sums = jax.ops.segment_sum(norm_msg, dst, num_segments=N_NODES)  # [N, out_dim]
    deg = jax.ops.segment_sum(jnp.ones((norm_msg.shape[0],), dtype=jnp.float32), dst, num_segments=N_NODES)
    deg_safe = jnp.where(deg > 0, deg, 1.0)
    h_new = jnp.where((deg > 0)[:, None], sums / deg_safe[:, None], 0.0)
    return h_new

if __name__ == "__main__":
    import jax
    _d = setup_inputs()
    print(jax.jit(kernel)(*tuple(_d.values())))

</pallas_src>

<mosaic_0001>
#map = affine_map<(d0, d1) -> (0)>
module attributes {stable_mosaic.version = 14 : i64} {
  func.func @_sc_hist_kernel(%arg0: i32, %arg1: i32, %arg2: memref<320000xi32, #tpu.memory_space<hbm>>, %arg3: memref<320000xi32, #tpu.memory_space<hbm>>, %arg4: memref<2621440xf32, #tpu.memory_space<hbm>>, %arg5: memref<327680xf32, #tpu.memory_space<hbm>>, %arg6: memref<81920xf32, #tpu.memory_space<vmem>>, %arg7: memref<10240xf32, #tpu.memory_space<vmem>>, %arg8: memref<10000xi32, #tpu.memory_space<vmem>>, %arg9: memref<10000xi32, #tpu.memory_space<vmem>>) attributes {dimension_semantics = [#tpu.dimension_semantics<core_parallel>, #tpu.dimension_semantics<subcore_parallel>], iteration_bounds = array<i64: 2, 16>, scalar_prefetch = 0 : i64, scratch_operands = 4 : i64, tpu.core_type = #tpu.core_type<sc_vector_subcore>, window_params = [{transform_indices = #map}, {transform_indices = #map}, {transform_indices = #map}, {transform_indices = #map}]} {
    %mul3A = arith.constant 16 : i32
    %mul3A_0 = arith.muli %arg0, %mul3A : i32
    %add3A = arith.addi %mul3A_0, %arg1 : i32
    %broadcast_in_dim3A = arith.constant 1.000000e+00 : f32
    %broadcast_in_dim3A_1 = vector.broadcast %broadcast_in_dim3A : f32 to vector<16xf32>
    %scan3A = arith.constant 0 : i32
    %scan3A_2 = arith.constant 640 : i32
    %scan3A_3 = arith.addi %scan3A, %scan3A_2 : i32
    %scan3A_4 = arith.constant 1 : i32
    scf.for %scan3A_24 = %scan3A to %scan3A_3 step %scan3A_4  : i32 {
      %broadcast_in_dim3A_25 = arith.constant 0.000000e+00 : f32
      %broadcast_in_dim3A_26 = vector.broadcast %broadcast_in_dim3A_25 : f32 to vector<16xf32>
      %mul3A_27 = arith.constant 128 : i32
      %mul3A_28 = arith.muli %scan3A_24, %mul3A_27 : i32
      %add3A_29 = arith.constant 0 : i32
      %add3A_30 = arith.addi %mul3A_28, %add3A_29 : i32
      %swap3A = arith.index_cast %add3A_30 : i32 to index
      %swap3A_31 = tpu.vector_load %arg6[%swap3A] {strides = array<i32>} : memref<81920xf32, #tpu.memory_space<vmem>>, vector<16xf32>,
      tpu.vector_store %arg6[%swap3A], %broadcast_in_dim3A_26 {strides = array<i32>} : memref<81920xf32, #tpu.memory_space<vmem>>, vector<16xf32>,
      %broadcast_in_dim3A_32 = arith.constant 0.000000e+00 : f32
      %broadcast_in_dim3A_33 = vector.broadcast %broadcast_in_dim3A_32 : f32 to vector<16xf32>
      %mul3A_34 = arith.constant 128 : i32
      %mul3A_35 = arith.muli %scan3A_24, %mul3A_34 : i32
      %add3A_36 = arith.constant 16 : i32
      %add3A_37 = arith.addi %mul3A_35, %add3A_36 : i32
      %swap3A_38 = arith.index_cast %add3A_37 : i32 to index
      %swap3A_39 = tpu.vector_load %arg6[%swap3A_38] {strides = array<i32>} : memref<81920xf32, #tpu.memory_space<vmem>>, vector<16xf32>,
      tpu.vector_store %arg6[%swap3A_38], %broadcast_in_dim3A_33 {strides = array<i32>} : memref<81920xf32, #tpu.memory_space<vmem>>, vector<16xf32>,
      %broadcast_in_dim3A_40 = arith.constant 0.000000e+00 : f32
      %broadcast_in_dim3A_41 = vector.broadcast %broadcast_in_dim3A_40 : f32 to vector<16xf32>
      %mul3A_42 = arith.constant 128 : i32
      %mul3A_43 = arith.muli %scan3A_24, %mul3A_42 : i32
      %add3A_44 = arith.constant 32 : i32
      %add3A_45 = arith.addi %mul3A_43, %add3A_44 : i32
      %swap3A_46 = arith.index_cast %add3A_45 : i32 to index
      %swap3A_47 = tpu.vector_load %arg6[%swap3A_46] {strides = array<i32>} : memref<81920xf32, #tpu.memory_space<vmem>>, vector<16xf32>,
      tpu.vector_store %arg6[%swap3A_46], %broadcast_in_dim3A_41 {strides = array<i32>} : memref<81920xf32, #tpu.memory_space<vmem>>, vector<16xf32>,
      %broadcast_in_dim3A_48 = arith.constant 0.000000e+00 : f32
      %broadcast_in_dim3A_49 = vector.broadcast %broadcast_in_dim3A_48 : f32 to vector<16xf32>
      %mul3A_50 = arith.constant 128 : i32
      %mul3A_51 = arith.muli %scan3A_24, %mul3A_50 : i32
      %add3A_52 = arith.constant 48 : i32
      %add3A_53 = arith.addi %mul3A_51, %add3A_52 : i32
      %swap3A_54 = arith.index_cast %add3A_53 : i32 to index
      %swap3A_55 = tpu.vector_load %arg6[%swap3A_54] {strides = array<i32>} : memref<81920xf32, #tpu.memory_space<vmem>>, vector<16xf32>,
      tpu.vector_store %arg6[%swap3A_54], %broadcast_in_dim3A_49 {strides = array<i32>} : memref<81920xf32, #tpu.memory_space<vmem>>, vector<16xf32>,
      %broadcast_in_dim3A_56 = arith.constant 0.000000e+00 : f32
      %broadcast_in_dim3A_57 = vector.broadcast %broadcast_in_dim3A_56 : f32 to vector<16xf32>
      %mul3A_58 = arith.constant 128 : i32
      %mul3A_59 = arith.muli %scan3A_24, %mul3A_58 : i32
      %add3A_60 = arith.constant 64 : i32
      %add3A_61 = arith.addi %mul3A_59, %add3A_60 : i32
      %swap3A_62 = arith.index_cast %add3A_61 : i32 to index
      %swap3A_63 = tpu.vector_load %arg6[%swap3A_62] {strides = array<i32>} : memref<81920xf32, #tpu.memory_space<vmem>>, vector<16xf32>,
      tpu.vector_store %arg6[%swap3A_62], %broadcast_in_dim3A_57 {strides = array<i32>} : memref<81920xf32, #tpu.memory_space<vmem>>, vector<16xf32>,
      %broadcast_in_dim3A_64 = arith.constant 0.000000e+00 : f32
      %broadcast_in_dim3A_65 = vector.broadcast %broadcast_in_dim3A_64 : f32 to vector<16xf32>
      %mul3A_66 = arith.constant 128 : i32
      %mul3A_67 = arith.muli %scan3A_24, %mul3A_66 : i32
      %add3A_68 = arith.constant 80 : i32
      %add3A_69 = arith.addi %mul3A_67, %add3A_68 : i32
      %swap3A_70 = arith.index_cast %add3A_69 : i32 to index
      %swap3A_71 = tpu.vector_load %arg6[%swap3A_70] {strides = array<i32>} : memref<81920xf32, #tpu.memory_space<vmem>>, vector<16xf32>,
      tpu.vector_store %arg6[%swap3A_70], %broadcast_in_dim3A_65 {strides = array<i32>} : memref<81920xf32, #tpu.memory_space<vmem>>, vector<16xf32>,
      %broadcast_in_dim3A_72 = arith.constant 0.000000e+00 : f32
      %broadcast_in_dim3A_73 = vector.broadcast %broadcast_in_dim3A_72 : f32 to vector<16xf32>
      %mul3A_74 = arith.constant 128 : i32
      %mul3A_75 = arith.muli %scan3A_24, %mul3A_74 : i32
      %add3A_76 = arith.constant 96 : i32
      %add3A_77 = arith.addi %mul3A_75, %add3A_76 : i32
      %swap3A_78 = arith.index_cast %add3A_77 : i32 to index
      %swap3A_79 = tpu.vector_load %arg6[%swap3A_78] {strides = array<i32>} : memref<81920xf32, #tpu.memory_space<vmem>>, vector<16xf32>,
      tpu.vector_store %arg6[%swap3A_78], %broadcast_in_dim3A_73 {strides = array<i32>} : memref<81920xf32, #tpu.memory_space<vmem>>, vector<16xf32>,
      %broadcast_in_dim3A_80 = arith.constant 0.000000e+00 : f32
      %broadcast_in_dim3A_81 = vector.broadcast %broadcast_in_dim3A_80 : f32 to vector<16xf32>
      %mul3A_82 = arith.constant 128 : i32
      %mul3A_83 = arith.muli %scan3A_24, %mul3A_82 : i32
      %add3A_84 = arith.constant 112 : i32
      %add3A_85 = arith.addi %mul3A_83, %add3A_84 : i32
      %swap3A_86 = arith.index_cast %add3A_85 : i32 to index
      %swap3A_87 = tpu.vector_load %arg6[%swap3A_86] {strides = array<i32>} : memref<81920xf32, #tpu.memory_space<vmem>>, vector<16xf32>,
      tpu.vector_store %arg6[%swap3A_86], %broadcast_in_dim3A_81 {strides = array<i32>} : memref<81920xf32, #tpu.memory_space<vmem>>, vector<16xf32>,
    }
    %scan3A_5 = arith.constant 640 : i32
    %scan3A_6 = arith.constant 0 : i32
    %scan3A_7 = arith.constant 80 : i32
    %scan3A_8 = arith.addi %scan3A_6, %scan3A_7 : i32
    %scan3A_9 = arith.constant 1 : i32
    scf.for %scan3A_24 = %scan3A_6 to %scan3A_8 step %scan3A_9  : i32 {
      %broadcast_in_dim3A_25 = arith.constant 0.000000e+00 : f32
      %broadcast_in_dim3A_26 = vector.broadcast %broadcast_in_dim3A_25 : f32 to vector<16xf32>
      %mul3A_27 = arith.constant 128 : i32
      %mul3A_28 = arith.muli %scan3A_24, %mul3A_27 : i32
      %add3A_29 = arith.constant 0 : i32
      %add3A_30 = arith.addi %mul3A_28, %add3A_29 : i32
      %swap3A = arith.index_cast %add3A_30 : i32 to index
      %swap3A_31 = tpu.vector_load %arg7[%swap3A] {strides = array<i32>} : memref<10240xf32, #tpu.memory_space<vmem>>, vector<16xf32>,
      tpu.vector_store %arg7[%swap3A], %broadcast_in_dim3A_26 {strides = array<i32>} : memref<10240xf32, #tpu.memory_space<vmem>>, vector<16xf32>,
      %broadcast_in_dim3A_32 = arith.constant 0.000000e+00 : f32
      %broadcast_in_dim3A_33 = vector.broadcast %broadcast_in_dim3A_32 : f32 to vector<16xf32>
      %mul3A_34 = arith.constant 128 : i32
      %mul3A_35 = arith.muli %scan3A_24, %mul3A_34 : i32
      %add3A_36 = arith.constant 16 : i32
      %add3A_37 = arith.addi %mul3A_35, %add3A_36 : i32
      %swap3A_38 = arith.index_cast %add3A_37 : i32 to index
      %swap3A_39 = tpu.vector_load %arg7[%swap3A_38] {strides = array<i32>} : memref<10240xf32, #tpu.memory_space<vmem>>, vector<16xf32>,
      tpu.vector_store %arg7[%swap3A_38], %broadcast_in_dim3A_33 {strides = array<i32>} : memref<10240xf32, #tpu.memory_space<vmem>>, vector<16xf32>,
      %broadcast_in_dim3A_40 = arith.constant 0.000000e+00 : f32
      %broadcast_in_dim3A_41 = vector.broadcast %broadcast_in_dim3A_40 : f32 to vector<16xf32>
      %mul3A_42 = arith.constant 128 : i32
      %mul3A_43 = arith.muli %scan3A_24, %mul3A_42 : i32
      %add3A_44 = arith.constant 32 : i32
      %add3A_45 = arith.addi %mul3A_43, %add3A_44 : i32
      %swap3A_46 = arith.index_cast %add3A_45 : i32 to index
      %swap3A_47 = tpu.vector_load %arg7[%swap3A_46] {strides = array<i32>} : memref<10240xf32, #tpu.memory_space<vmem>>, vector<16xf32>,
      tpu.vector_store %arg7[%swap3A_46], %broadcast_in_dim3A_41 {strides = array<i32>} : memref<10240xf32, #tpu.memory_space<vmem>>, vector<16xf32>,
      %broadcast_in_dim3A_48 = arith.constant 0.000000e+00 : f32
      %broadcast_in_dim3A_49 = vector.broadcast %broadcast_in_dim3A_48 : f32 to vector<16xf32>
      %mul3A_50 = arith.constant 128 : i32
      %mul3A_51 = arith.muli %scan3A_24, %mul3A_50 : i32
      %add3A_52 = arith.constant 48 : i32
      %add3A_53 = arith.addi %mul3A_51, %add3A_52 : i32
      %swap3A_54 = arith.index_cast %add3A_53 : i32 to index
      %swap3A_55 = tpu.vector_load %arg7[%swap3A_54] {strides = array<i32>} : memref<10240xf32, #tpu.memory_space<vmem>>, vector<16xf32>,
      tpu.vector_store %arg7[%swap3A_54], %broadcast_in_dim3A_49 {strides = array<i32>} : memref<10240xf32, #tpu.memory_space<vmem>>, vector<16xf32>,
      %broadcast_in_dim3A_56 = arith.constant 0.000000e+00 : f32
      %broadcast_in_dim3A_57 = vector.broadcast %broadcast_in_dim3A_56 : f32 to vector<16xf32>
      %mul3A_58 = arith.constant 128 : i32
      %mul3A_59 = arith.muli %scan3A_24, %mul3A_58 : i32
      %add3A_60 = arith.constant 64 : i32
      %add3A_61 = arith.addi %mul3A_59, %add3A_60 : i32
      %swap3A_62 = arith.index_cast %add3A_61 : i32 to index
      %swap3A_63 = tpu.vector_load %arg7[%swap3A_62] {strides = array<i32>} : memref<10240xf32, #tpu.memory_space<vmem>>, vector<16xf32>,
      tpu.vector_store %arg7[%swap3A_62], %broadcast_in_dim3A_57 {strides = array<i32>} : memref<10240xf32, #tpu.memory_space<vmem>>, vector<16xf32>,
      %broadcast_in_dim3A_64 = arith.constant 0.000000e+00 : f32
      %broadcast_in_dim3A_65 = vector.broadcast %broadcast_in_dim3A_64 : f32 to vector<16xf32>
      %mul3A_66 = arith.constant 128 : i32
      %mul3A_67 = arith.muli %scan3A_24, %mul3A_66 : i32
      %add3A_68 = arith.constant 80 : i32
      %add3A_69 = arith.addi %mul3A_67, %add3A_68 : i32
      %swap3A_70 = arith.index_cast %add3A_69 : i32 to index
      %swap3A_71 = tpu.vector_load %arg7[%swap3A_70] {strides = array<i32>} : memref<10240xf32, #tpu.memory_space<vmem>>, vector<16xf32>,
      tpu.vector_store %arg7[%swap3A_70], %broadcast_in_dim3A_65 {strides = array<i32>} : memref<10240xf32, #tpu.memory_space<vmem>>, vector<16xf32>,
      %broadcast_in_dim3A_72 = arith.constant 0.000000e+00 : f32
      %broadcast_in_dim3A_73 = vector.broadcast %broadcast_in_dim3A_72 : f32 to vector<16xf32>
      %mul3A_74 = arith.constant 128 : i32
      %mul3A_75 = arith.muli %scan3A_24, %mul3A_74 : i32
      %add3A_76 = arith.constant 96 : i32
      %add3A_77 = arith.addi %mul3A_75, %add3A_76 : i32
      %swap3A_78 = arith.index_cast %add3A_77 : i32 to index
      %swap3A_79 = tpu.vector_load %arg7[%swap3A_78] {strides = array<i32>} : memref<10240xf32, #tpu.memory_space<vmem>>, vector<16xf32>,
      tpu.vector_store %arg7[%swap3A_78], %broadcast_in_dim3A_73 {strides = array<i32>} : memref<10240xf32, #tpu.memory_space<vmem>>, vector<16xf32>,
      %broadcast_in_dim3A_80 = arith.constant 0.000000e+00 : f32
      %broadcast_in_dim3A_81 = vector.broadcast %broadcast_in_dim3A_80 : f32 to vector<16xf32>
      %mul3A_82 = arith.constant 128 : i32
      %mul3A_83 = arith.muli %scan3A_24, %mul3A_82 : i32
      %add3A_84 = arith.constant 112 : i32
      %add3A_85 = arith.addi %mul3A_83, %add3A_84 : i32
      %swap3A_86 = arith.index_cast %add3A_85 : i32 to index
      %swap3A_87 = tpu.vector_load %arg7[%swap3A_86] {strides = array<i32>} : memref<10240xf32, #tpu.memory_space<vmem>>, vector<16xf32>,
      tpu.vector_store %arg7[%swap3A_86], %broadcast_in_dim3A_81 {strides = array<i32>} : memref<10240xf32, #tpu.memory_space<vmem>>, vector<16xf32>,
    }
    %scan3A_10 = arith.constant 80 : i32
    %mul3A_11 = arith.constant 10000 : i32
    %mul3A_12 = arith.muli %add3A, %mul3A_11 : i32
    "tpu.region"() ({
      %run_scoped3A = tpu.sem_alloc : memref<!tpu.dma_semaphore, #tpu.memory_space<semaphore_mem>>
      %dma_start3A = tpu.memref_slice %arg2[%mul3A_12] : memref<320000xi32, #tpu.memory_space<hbm>> -> memref<10000xi32, #tpu.memory_space<hbm>>
      %dma_start3A_24 = tpu.memref_slice %arg2[%mul3A_12] : memref<320000xi32, #tpu.memory_space<hbm>> -> memref<10000xi32, #tpu.memory_space<hbm>>
      tpu.enqueue_dma source(%dma_start3A_24 : memref<10000xi32, #tpu.memory_space<hbm>>) target(%arg8 : memref<10000xi32, #tpu.memory_space<vmem>>) target_semaphore(%run_scoped3A : memref<!tpu.dma_semaphore, #tpu.memory_space<semaphore_mem>>)
      %dma_wait3A = tpu.memref_slice %arg2[%mul3A_12] : memref<320000xi32, #tpu.memory_space<hbm>> -> memref<10000xi32, #tpu.memory_space<hbm>>
      %dma_wait3A_25 = tpu.memref_slice %arg2[%mul3A_12] : memref<320000xi32, #tpu.memory_space<hbm>> -> memref<10000xi32, #tpu.memory_space<hbm>>
      tpu.wait_dma2 semaphore(%run_scoped3A : memref<!tpu.dma_semaphore, #tpu.memory_space<semaphore_mem>>) src(%dma_wait3A_25 : memref<10000xi32, #tpu.memory_space<hbm>>) dst(%arg8 : memref<10000xi32, #tpu.memory_space<vmem>>)
      tpu.yield
    }) : () -> ()
    %mul3A_13 = arith.constant 10000 : i32
    %mul3A_14 = arith.muli %add3A, %mul3A_13 : i32
    "tpu.region"() ({
      %run_scoped3A = tpu.sem_alloc : memref<!tpu.dma_semaphore, #tpu.memory_space<semaphore_mem>>
      %dma_start3A = tpu.memref_slice %arg3[%mul3A_14] : memref<320000xi32, #tpu.memory_space<hbm>> -> memref<10000xi32, #tpu.memory_space<hbm>>
      %dma_start3A_24 = tpu.memref_slice %arg3[%mul3A_14] : memref<320000xi32, #tpu.memory_space<hbm>> -> memref<10000xi32, #tpu.memory_space<hbm>>
      tpu.enqueue_dma source(%dma_start3A_24 : memref<10000xi32, #tpu.memory_space<hbm>>) target(%arg9 : memref<10000xi32, #tpu.memory_space<vmem>>) target_semaphore(%run_scoped3A : memref<!tpu.dma_semaphore, #tpu.memory_space<semaphore_mem>>)
      %dma_wait3A = tpu.memref_slice %arg3[%mul3A_14] : memref<320000xi32, #tpu.memory_space<hbm>> -> memref<10000xi32, #tpu.memory_space<hbm>>
      %dma_wait3A_25 = tpu.memref_slice %arg3[%mul3A_14] : memref<320000xi32, #tpu.memory_space<hbm>> -> memref<10000xi32, #tpu.memory_space<hbm>>
      tpu.wait_dma2 semaphore(%run_scoped3A : memref<!tpu.dma_semaphore, #tpu.memory_space<semaphore_mem>>) src(%dma_wait3A_25 : memref<10000xi32, #tpu.memory_space<hbm>>) dst(%arg9 : memref<10000xi32, #tpu.memory_space<vmem>>)
      tpu.yield
    }) : () -> ()
    %scan3A_15 = arith.constant 0 : i32
    %scan3A_16 = arith.constant 625 : i32
    %scan3A_17 = arith.addi %scan3A_15, %scan3A_16 : i32
    %scan3A_18 = arith.constant 1 : i32
    scf.for %scan3A_24 = %scan3A_15 to %scan3A_17 step %scan3A_18  : i32 {
      %mul3A_25 = arith.constant 16 : i32
      %mul3A_26 = arith.muli %scan3A_24, %mul3A_25 : i32
      %get3A = arith.index_cast %mul3A_26 : i32 to index
      %get3A_27 = tpu.vector_load %arg8[%get3A] {strides = array<i32>} : memref<10000xi32, #tpu.memory_space<vmem>>, vector<16xi32>,
      tpu.vector_store_idx %arg6[%get3A_27], %broadcast_in_dim3A_1 {add = true} : memref<81920xf32, #tpu.memory_space<vmem>>[vector<16xi32>], vector<16xf32>,
      %mul3A_28 = arith.constant 16 : i32
      %mul3A_29 = arith.muli %scan3A_24, %mul3A_28 : i32
      %get3A_30 = arith.index_cast %mul3A_29 : i32 to index
      %get3A_31 = tpu.vector_load %arg9[%get3A_30] {strides = array<i32>} : memref<10000xi32, #tpu.memory_space<vmem>>, vector<16xi32>,
      tpu.vector_store_idx %arg7[%get3A_31], %broadcast_in_dim3A_1 {add = true} : memref<10240xf32, #tpu.memory_space<vmem>>[vector<16xi32>], vector<16xf32>,
    }
    %scan3A_19 = arith.constant 625 : i32
    %mul3A_20 = arith.constant 81920 : i32
    %mul3A_21 = arith.muli %add3A, %mul3A_20 : i32
    "tpu.region"() ({
      %run_scoped3A = tpu.sem_alloc : memref<!tpu.dma_semaphore, #tpu.memory_space<semaphore_mem>>
      %dma_start3A = tpu.memref_slice %arg4[%mul3A_21] : memref<2621440xf32, #tpu.memory_space<hbm>> -> memref<81920xf32, #tpu.memory_space<hbm>>
      %dma_start3A_24 = tpu.memref_slice %arg4[%mul3A_21] : memref<2621440xf32, #tpu.memory_space<hbm>> -> memref<81920xf32, #tpu.memory_space<hbm>>
      tpu.enqueue_dma source(%arg6 : memref<81920xf32, #tpu.memory_space<vmem>>) target(%dma_start3A_24 : memref<81920xf32, #tpu.memory_space<hbm>>) target_semaphore(%run_scoped3A : memref<!tpu.dma_semaphore, #tpu.memory_space<semaphore_mem>>)
      %dma_wait3A = tpu.memref_slice %arg4[%mul3A_21] : memref<2621440xf32, #tpu.memory_space<hbm>> -> memref<81920xf32, #tpu.memory_space<hbm>>
      %dma_wait3A_25 = tpu.memref_slice %arg4[%mul3A_21] : memref<2621440xf32, #tpu.memory_space<hbm>> -> memref<81920xf32, #tpu.memory_space<hbm>>
      tpu.wait_dma2 semaphore(%run_scoped3A : memref<!tpu.dma_semaphore, #tpu.memory_space<semaphore_mem>>) src(%arg6 : memref<81920xf32, #tpu.memory_space<vmem>>) dst(%dma_wait3A_25 : memref<81920xf32, #tpu.memory_space<hbm>>)
      tpu.yield
    }) : () -> ()
    %mul3A_22 = arith.constant 10240 : i32
    %mul3A_23 = arith.muli %add3A, %mul3A_22 : i32
    "tpu.region"() ({
      %run_scoped3A = tpu.sem_alloc : memref<!tpu.dma_semaphore, #tpu.memory_space<semaphore_mem>>
      %dma_start3A = tpu.memref_slice %arg5[%mul3A_23] : memref<327680xf32, #tpu.memory_space<hbm>> -> memref<10240xf32, #tpu.memory_space<hbm>>
      %dma_start3A_24 = tpu.memref_slice %arg5[%mul3A_23] : memref<327680xf32, #tpu.memory_space<hbm>> -> memref<10240xf32, #tpu.memory_space<hbm>>
      tpu.enqueue_dma source(%arg7 : memref<10240xf32, #tpu.memory_space<vmem>>) target(%dma_start3A_24 : memref<10240xf32, #tpu.memory_space<hbm>>) target_semaphore(%run_scoped3A : memref<!tpu.dma_semaphore, #tpu.memory_space<semaphore_mem>>)
      %dma_wait3A = tpu.memref_slice %arg5[%mul3A_23] : memref<327680xf32, #tpu.memory_space<hbm>> -> memref<10240xf32, #tpu.memory_space<hbm>>
      %dma_wait3A_25 = tpu.memref_slice %arg5[%mul3A_23] : memref<327680xf32, #tpu.memory_space<hbm>> -> memref<10240xf32, #tpu.memory_space<hbm>>
      tpu.wait_dma2 semaphore(%run_scoped3A : memref<!tpu.dma_semaphore, #tpu.memory_space<semaphore_mem>>) src(%arg7 : memref<10240xf32, #tpu.memory_space<vmem>>) dst(%dma_wait3A_25 : memref<10240xf32, #tpu.memory_space<hbm>>)
      tpu.yield
    }) : () -> ()
    return
  }
}

#map = affine_map<(d0, d1) -> (0)>
#map1 = affine_map<(d0, d1) -> (0, 0, 0)>
#map2 = affine_map<(d0, d1) -> (0, 0)>
module attributes {stable_mosaic.version = 14 : i64} {
  func.func @_sc_acc_kernel(%arg0: i32, %arg1: i32, %arg2: memref<320000xi32, #tpu.memory_space<hbm>>, %arg3: memref<32x125x80xi32, #tpu.memory_space<hbm>>, %arg4: memref<81920x128xf32, #tpu.memory_space<hbm>>, %arg5: memref<2x10000x128xf32, #tpu.memory_space<hbm>>, %arg6: memref<10000x128xf32, #tpu.memory_space<vmem_shared>>, %arg7: memref<80x128xf32, #tpu.memory_space<vmem>>, %arg8: memref<80x128xf32, #tpu.memory_space<vmem>>, %arg9: memref<80x128xf32, #tpu.memory_space<vmem>>, %arg10: memref<80xi32, #tpu.memory_space<vmem>>, %arg11: memref<80xi32, #tpu.memory_space<vmem>>, %arg12: memref<80xi32, #tpu.memory_space<vmem>>, %arg13: memref<125x80xi32, #tpu.memory_space<vmem>>, %arg14: memref<!tpu.dma_semaphore, #tpu.memory_space<semaphore_mem>>, %arg15: memref<!tpu.dma_semaphore, #tpu.memory_space<semaphore_mem>>, %arg16: memref<!tpu.dma_semaphore, #tpu.memory_space<semaphore_mem>>, %arg17: memref<!tpu.dma_semaphore, #tpu.memory_space<semaphore_mem>>, %arg18: memref<!tpu.dma_semaphore, #tpu.memory_space<semaphore_mem>>, %arg19: memref<!tpu.dma_semaphore, #tpu.memory_space<semaphore_mem>>, %arg20: memref<!tpu.dma_semaphore, #tpu.memory_space<semaphore_mem>>, %arg21: memref<!tpu.dma_semaphore, #tpu.memory_space<semaphore_mem>>, %arg22: memref<!tpu.dma_semaphore, #tpu.memory_space<semaphore_mem>>) attributes {dimension_semantics = [#tpu.dimension_semantics<core_parallel>, #tpu.dimension_semantics<subcore_parallel>], iteration_bounds = array<i64: 2, 16>, scalar_prefetch = 0 : i64, scratch_operands = 17 : i64, tpu.core_type = #tpu.core_type<sc_vector_subcore>, window_params = [{transform_indices = #map}, {transform_indices = #map1}, {transform_indices = #map2}, {transform_indices = #map1}]} {
    %mul3A = arith.constant 16 : i32
    %mul3A_0 = arith.muli %arg0, %mul3A : i32
    %add3A = arith.addi %mul3A_0, %arg1 : i32
    %mul3A_1 = arith.constant 10000 : i32
    %mul3A_2 = arith.muli %add3A, %mul3A_1 : i32
    %scan3A = arith.constant 0 : i32
    %scan3A_3 = arith.constant 80 : i32
    %scan3A_4 = arith.addi %scan3A, %scan3A_3 : i32
    %scan3A_5 = arith.constant 1 : i32
    scf.for %scan3A_92 = %scan3A to %scan3A_4 step %scan3A_5  : i32 {
      %broadcast_in_dim3A = arith.constant 0.000000e+00 : f32
      %broadcast_in_dim3A_93 = vector.broadcast %broadcast_in_dim3A : f32 to vector<16xf32>
      %swap3A = arith.index_cast %scan3A_92 : i32 to index
      %swap3A_94 = arith.constant 0 : index
      %swap3A_95 = tpu.vector_load %arg7[%swap3A, %swap3A_94] {strides = array<i32>} : memref<80x128xf32, #tpu.memory_space<vmem>>, vector<16xf32>,
      tpu.vector_store %arg7[%swap3A, %swap3A_94], %broadcast_in_dim3A_93 {strides = array<i32>} : memref<80x128xf32, #tpu.memory_space<vmem>>, vector<16xf32>,
      %broadcast_in_dim3A_96 = arith.constant 0.000000e+00 : f32
      %broadcast_in_dim3A_97 = vector.broadcast %broadcast_in_dim3A_96 : f32 to vector<16xf32>
      %swap3A_98 = arith.index_cast %scan3A_92 : i32 to index
      %swap3A_99 = arith.constant 16 : index
      %swap3A_100 = tpu.vector_load %arg7[%swap3A_98, %swap3A_99] {strides = array<i32>} : memref<80x128xf32, #tpu.memory_space<vmem>>, vector<16xf32>,
      tpu.vector_store %arg7[%swap3A_98, %swap3A_99], %broadcast_in_dim3A_97 {strides = array<i32>} : memref<80x128xf32, #tpu.memory_space<vmem>>, vector<16xf32>,
      %broadcast_in_dim3A_101 = arith.constant 0.000000e+00 : f32
      %broadcast_in_dim3A_102 = vector.broadcast %broadcast_in_dim3A_101 : f32 to vector<16xf32>
      %swap3A_103 = arith.index_cast %scan3A_92 : i32 to index
      %swap3A_104 = arith.constant 32 : index
      %swap3A_105 = tpu.vector_load %arg7[%swap3A_103, %swap3A_104] {strides = array<i32>} : memref<80x128xf32, #tpu.memory_space<vmem>>, vector<16xf32>,
      tpu.vector_store %arg7[%swap3A_103, %swap3A_104], %broadcast_in_dim3A_102 {strides = array<i32>} : memref<80x128xf32, #tpu.memory_space<vmem>>, vector<16xf32>,
      %broadcast_in_dim3A_106 = arith.constant 0.000000e+00 : f32
      %broadcast_in_dim3A_107 = vector.broadcast %broadcast_in_dim3A_106 : f32 to vector<16xf32>
      %swap3A_108 = arith.index_cast %scan3A_92 : i32 to index
      %swap3A_109 = arith.constant 48 : index
      %swap3A_110 = tpu.vector_load %arg7[%swap3A_108, %swap3A_109] {strides = array<i32>} : memref<80x128xf32, #tpu.memory_space<vmem>>, vector<16xf32>,
      tpu.vector_store %arg7[%swap3A_108, %swap3A_109], %broadcast_in_dim3A_107 {strides = array<i32>} : memref<80x128xf32, #tpu.memory_space<vmem>>, vector<16xf32>,
      %broadcast_in_dim3A_111 = arith.constant 0.000000e+00 : f32
      %broadcast_in_dim3A_112 = vector.broadcast %broadcast_in_dim3A_111 : f32 to vector<16xf32>
      %swap3A_113 = arith.index_cast %scan3A_92 : i32 to index
      %swap3A_114 = arith.constant 64 : index
      %swap3A_115 = tpu.vector_load %arg7[%swap3A_113, %swap3A_114] {strides = array<i32>} : memref<80x128xf32, #tpu.memory_space<vmem>>, vector<16xf32>,
      tpu.vector_store %arg7[%swap3A_113, %swap3A_114], %broadcast_in_dim3A_112 {strides = array<i32>} : memref<80x128xf32, #tpu.memory_space<vmem>>, vector<16xf32>,
      %broadcast_in_dim3A_116 = arith.constant 0.000000e+00 : f32
      %broadcast_in_dim3A_117 = vector.broadcast %broadcast_in_dim3A_116 : f32 to vector<16xf32>
      %swap3A_118 = arith.index_cast %scan3A_92 : i32 to index
      %swap3A_119 = arith.constant 80 : index
      %swap3A_120 = tpu.vector_load %arg7[%swap3A_118, %swap3A_119] {strides = array<i32>} : memref<80x128xf32, #tpu.memory_space<vmem>>, vector<16xf32>,
      tpu.vector_store %arg7[%swap3A_118, %swap3A_119], %broadcast_in_dim3A_117 {strides = array<i32>} : memref<80x128xf32, #tpu.memory_space<vmem>>, vector<16xf32>,
      %broadcast_in_dim3A_121 = arith.constant 0.000000e+00 : f32
      %broadcast_in_dim3A_122 = vector.broadcast %broadcast_in_dim3A_121 : f32 to vector<16xf32>
      %swap3A_123 = arith.index_cast %scan3A_92 : i32 to index
      %swap3A_124 = arith.constant 96 : index
      %swap3A_125 = tpu.vector_load %arg7[%swap3A_123, %swap3A_124] {strides = array<i32>} : memref<80x128xf32, #tpu.memory_space<vmem>>, vector<16xf32>,
      tpu.vector_store %arg7[%swap3A_123, %swap3A_124], %broadcast_in_dim3A_122 {strides = array<i32>} : memref<80x128xf32, #tpu.memory_space<vmem>>, vector<16xf32>,
      %broadcast_in_dim3A_126 = arith.constant 0.000000e+00 : f32
      %broadcast_in_dim3A_127 = vector.broadcast %broadcast_in_dim3A_126 : f32 to vector<16xf32>
      %swap3A_128 = arith.index_cast %scan3A_92 : i32 to index
      %swap3A_129 = arith.constant 112 : index
      %swap3A_130 = tpu.vector_load %arg7[%swap3A_128, %swap3A_129] {strides = array<i32>} : memref<80x128xf32, #tpu.memory_space<vmem>>, vector<16xf32>,
      tpu.vector_store %arg7[%swap3A_128, %swap3A_129], %broadcast_in_dim3A_127 {strides = array<i32>} : memref<80x128xf32, #tpu.memory_space<vmem>>, vector<16xf32>,
    }
    %scan3A_6 = arith.constant 80 : i32
    %scan3A_7 = arith.constant 0 : i32
    %scan3A_8 = arith.constant 8 : i32
    %scan3A_9 = arith.addi %scan3A_7, %scan3A_8 : i32
    %scan3A_10 = arith.constant 1 : i32
    scf.for %scan3A_92 = %scan3A_7 to %scan3A_9 step %scan3A_10  : i32 {
      %mul3A_93 = arith.constant 16 : i32
      %mul3A_94 = arith.muli %mul3A_93, %scan3A_92 : i32
      %add3A_95 = arith.addi %arg1, %mul3A_94 : i32
      %lt3A_96 = arith.constant 125 : i32
      %lt3A_97 = arith.cmpi slt, %add3A_95, %lt3A_96 : i32
      %convert_element_type3A_98 = arith.extui %lt3A_97 : i1 to i32
      %cond3A_99 = arith.constant 0 : i32
      %cond3A_100 = arith.cmpi ne, %convert_element_type3A_98, %cond3A_99 : i32
      scf.if %cond3A_100 {
        %mul3A_101 = arith.constant 80 : i32
        %mul3A_102 = arith.muli %add3A_95, %mul3A_101 : i32
        "tpu.region"() ({
          %run_scoped3A = tpu.sem_alloc : memref<!tpu.dma_semaphore, #tpu.memory_space<semaphore_mem>>
          %dma_start3A_103 = arith.constant 0 : i32
          %dma_start3A_104 = arith.constant 0 : i32
          %dma_start3A_105 = tpu.memref_slice %arg7[%dma_start3A_103, %dma_start3A_104] : memref<80x128xf32, #tpu.memory_space<vmem>> -> memref<80x128xf32, #tpu.memory_space<vmem>>
          %dma_start3A_106 = arith.constant 0 : i32
          %dma_start3A_107 = tpu.memref_slice %arg6[%mul3A_102, %dma_start3A_106] : memref<10000x128xf32, #tpu.memory_space<vmem_shared>> -> memref<80x128xf32, #tpu.memory_space<vmem_shared>>
          %dma_start3A_108 = arith.constant 0 : i32
          %dma_start3A_109 = tpu.memref_slice %arg6[%mul3A_102, %dma_start3A_108] : memref<10000x128xf32, #tpu.memory_space<vmem_shared>> -> memref<80x128xf32, #tpu.memory_space<vmem_shared>>
          %dma_start3A_110 = arith.constant 0 : i32
          %dma_start3A_111 = arith.constant 0 : i32
          %dma_start3A_112 = tpu.memref_slice %arg7[%dma_start3A_110, %dma_start3A_111] : memref<80x128xf32, #tpu.memory_space<vmem>> -> memref<80x128xf32, #tpu.memory_space<vmem>>
          tpu.enqueue_dma source(%dma_start3A_112 : memref<80x128xf32, #tpu.memory_space<vmem>>) target(%dma_start3A_109 : memref<80x128xf32, #tpu.memory_space<vmem_shared>>) target_semaphore(%run_scoped3A : memref<!tpu.dma_semaphore, #tpu.memory_space<semaphore_mem>>)
          %dma_wait3A_113 = arith.constant 0 : i32
          %dma_wait3A_114 = arith.constant 0 : i32
          %dma_wait3A_115 = tpu.memref_slice %arg7[%dma_wait3A_113, %dma_wait3A_114] : memref<80x128xf32, #tpu.memory_space<vmem>> -> memref<80x128xf32, #tpu.memory_space<vmem>>
          %dma_wait3A_116 = arith.constant 0 : i32
          %dma_wait3A_117 = tpu.memref_slice %arg6[%mul3A_102, %dma_wait3A_116] : memref<10000x128xf32, #tpu.memory_space<vmem_shared>> -> memref<80x128xf32, #tpu.memory_space<vmem_shared>>
          %dma_wait3A_118 = arith.constant 0 : i32
          %dma_wait3A_119 = tpu.memref_slice %arg6[%mul3A_102, %dma_wait3A_118] : memref<10000x128xf32, #tpu.memory_space<vmem_shared>> -> memref<80x128xf32, #tpu.memory_space<vmem_shared>>
          %dma_wait3A_120 = arith.constant 0 : i32
          %dma_wait3A_121 = arith.constant 0 : i32
          %dma_wait3A_122 = tpu.memref_slice %arg7[%dma_wait3A_120, %dma_wait3A_121] : memref<80x128xf32, #tpu.memory_space<vmem>> -> memref<80x128xf32, #tpu.memory_space<vmem>>
          tpu.wait_dma2 semaphore(%run_scoped3A : memref<!tpu.dma_semaphore, #tpu.memory_space<semaphore_mem>>) src(%dma_wait3A_122 : memref<80x128xf32, #tpu.memory_space<vmem>>) dst(%dma_wait3A_119 : memref<80x128xf32, #tpu.memory_space<vmem_shared>>)
          tpu.yield
        }) : () -> ()
      } else {
      }
    }
    %scan3A_11 = arith.constant 8 : i32
    "tpu.region"() ({
      %run_scoped3A = tpu.sem_alloc : memref<!tpu.dma_semaphore, #tpu.memory_space<semaphore_mem>>
      %dma_start3A_92 = arith.constant 0 : i32
      %dma_start3A_93 = arith.constant 0 : i32
      %dma_start3A_94 = tpu.memref_slice %arg3[%add3A, %dma_start3A_92, %dma_start3A_93] : memref<32x125x80xi32, #tpu.memory_space<hbm>> -> memref<1x125x80xi32, #tpu.memory_space<hbm>>
      %dma_start3A_95 = tpu.memref_squeeze %dma_start3A_94 : memref<1x125x80xi32, #tpu.memory_space<hbm>> -> memref<125x80xi32, #tpu.memory_space<hbm>>
      %dma_start3A_96 = arith.constant 0 : i32
      %dma_start3A_97 = arith.constant 0 : i32
      %dma_start3A_98 = tpu.memref_slice %arg3[%add3A, %dma_start3A_96, %dma_start3A_97] : memref<32x125x80xi32, #tpu.memory_space<hbm>> -> memref<1x125x80xi32, #tpu.memory_space<hbm>>
      %dma_start3A_99 = tpu.memref_squeeze %dma_start3A_98 : memref<1x125x80xi32, #tpu.memory_space<hbm>> -> memref<125x80xi32, #tpu.memory_space<hbm>>
      tpu.enqueue_dma source(%dma_start3A_99 : memref<125x80xi32, #tpu.memory_space<hbm>>) target(%arg13 : memref<125x80xi32, #tpu.memory_space<vmem>>) target_semaphore(%run_scoped3A : memref<!tpu.dma_semaphore, #tpu.memory_space<semaphore_mem>>)
      %dma_wait3A_100 = arith.constant 0 : i32
      %dma_wait3A_101 = arith.constant 0 : i32
      %dma_wait3A_102 = tpu.memref_slice %arg3[%add3A, %dma_wait3A_100, %dma_wait3A_101] : memref<32x125x80xi32, #tpu.memory_space<hbm>> -> memref<1x125x80xi32, #tpu.memory_space<hbm>>
      %dma_wait3A_103 = tpu.memref_squeeze %dma_wait3A_102 : memref<1x125x80xi32, #tpu.memory_space<hbm>> -> memref<125x80xi32, #tpu.memory_space<hbm>>
      %dma_wait3A_104 = arith.constant 0 : i32
      %dma_wait3A_105 = arith.constant 0 : i32
      %dma_wait3A_106 = tpu.memref_slice %arg3[%add3A, %dma_wait3A_104, %dma_wait3A_105] : memref<32x125x80xi32, #tpu.memory_space<hbm>> -> memref<1x125x80xi32, #tpu.memory_space<hbm>>
      %dma_wait3A_107 = tpu.memref_squeeze %dma_wait3A_106 : memref<1x125x80xi32, #tpu.memory_space<hbm>> -> memref<125x80xi32, #tpu.memory_space<hbm>>
      tpu.wait_dma2 semaphore(%run_scoped3A : memref<!tpu.dma_semaphore, #tpu.memory_space<semaphore_mem>>) src(%dma_wait3A_107 : memref<125x80xi32, #tpu.memory_space<hbm>>) dst(%arg13 : memref<125x80xi32, #tpu.memory_space<vmem>>)
      tpu.yield
    }) : () -> ()
    %barrier3A = arith.constant 0 : index
    tpu.barrier barrier_id(%barrier3A)
    %add3A_12 = arith.constant 0 : i32
    %add3A_13 = arith.addi %mul3A_2, %add3A_12 : i32
    %dma_start3A = tpu.memref_slice %arg2[%add3A_13] : memref<320000xi32, #tpu.memory_space<hbm>> -> memref<80xi32, #tpu.memory_space<hbm>>
    %dma_start3A_14 = tpu.memref_slice %arg2[%add3A_13] : memref<320000xi32, #tpu.memory_space<hbm>> -> memref<80xi32, #tpu.memory_space<hbm>>
    tpu.enqueue_dma source(%dma_start3A_14 : memref<80xi32, #tpu.memory_space<hbm>>) target(%arg10 : memref<80xi32, #tpu.memory_space<vmem>>) target_semaphore(%arg20 : memref<!tpu.dma_semaphore, #tpu.memory_space<semaphore_mem>>)
    %add3A_15 = arith.constant 80 : i32
    %add3A_16 = arith.addi %mul3A_2, %add3A_15 : i32
    %dma_start3A_17 = tpu.memref_slice %arg2[%add3A_16] : memref<320000xi32, #tpu.memory_space<hbm>> -> memref<80xi32, #tpu.memory_space<hbm>>
    %dma_start3A_18 = tpu.memref_slice %arg2[%add3A_16] : memref<320000xi32, #tpu.memory_space<hbm>> -> memref<80xi32, #tpu.memory_space<hbm>>
    tpu.enqueue_dma source(%dma_start3A_18 : memref<80xi32, #tpu.memory_space<hbm>>) target(%arg11 : memref<80xi32, #tpu.memory_space<vmem>>) target_semaphore(%arg21 : memref<!tpu.dma_semaphore, #tpu.memory_space<semaphore_mem>>)
    %add3A_19 = arith.constant 0 : i32
    %add3A_20 = arith.addi %mul3A_2, %add3A_19 : i32
    %dma_wait3A = tpu.memref_slice %arg2[%add3A_20] : memref<320000xi32, #tpu.memory_space<hbm>> -> memref<80xi32, #tpu.memory_space<hbm>>
    %dma_wait3A_21 = tpu.memref_slice %arg2[%add3A_20] : memref<320000xi32, #tpu.memory_space<hbm>> -> memref<80xi32, #tpu.memory_space<hbm>>
    tpu.wait_dma2 semaphore(%arg20 : memref<!tpu.dma_semaphore, #tpu.memory_space<semaphore_mem>>) src(%dma_wait3A_21 : memref<80xi32, #tpu.memory_space<hbm>>) dst(%arg10 : memref<80xi32, #tpu.memory_space<vmem>>)
    %dma_start3A_22 = arith.constant 0 : i32
    %dma_start3A_23 = arith.constant 0 : i32
    %dma_start3A_24 = tpu.memref_slice %arg4[%dma_start3A_22, %dma_start3A_23] : memref<81920x128xf32, #tpu.memory_space<hbm>> -> memref<81920x128xf32, #tpu.memory_space<hbm>>
    tpu.enqueue_indirect_dma source(%dma_start3A_24 : memref<81920x128xf32, #tpu.memory_space<hbm>>) target(%arg7 : memref<80x128xf32, #tpu.memory_space<vmem>>) offsets(%arg10 : memref<80xi32, #tpu.memory_space<vmem>>) semaphore(%arg14 : memref<!tpu.dma_semaphore, #tpu.memory_space<semaphore_mem>>)
    %scan3A_25 = arith.constant 0 : i32
    %scan3A_26 = arith.constant 41 : i32
    %scan3A_27 = arith.addi %scan3A_25, %scan3A_26 : i32
    %scan3A_28 = arith.constant 1 : i32
    scf.for %scan3A_92 = %scan3A_25 to %scan3A_27 step %scan3A_28  : i32 {
      %mul3A_93 = arith.constant 3 : i32
      %mul3A_94 = arith.muli %mul3A_93, %scan3A_92 : i32
      %ge3A = arith.constant 2 : i32
      %ge3A_95 = arith.cmpi sge, %mul3A_94, %ge3A : i32
      %convert_element_type3A_96 = arith.extui %ge3A_95 : i1 to i32
      %cond3A_97 = arith.constant 0 : i32
      %cond3A_98 = arith.cmpi ne, %convert_element_type3A_96, %cond3A_97 : i32
      scf.if %cond3A_98 {
        %sub3A = arith.constant 2 : i32
        %sub3A_195 = arith.subi %mul3A_94, %sub3A : i32
        %dma_wait3A_196 = arith.constant 0 : i32
        %dma_wait3A_197 = tpu.memref_slice %arg13[%sub3A_195, %dma_wait3A_196] : memref<125x80xi32, #tpu.memory_space<vmem>> -> memref<1x80xi32, #tpu.memory_space<vmem>>
        %dma_wait3A_198 = tpu.memref_squeeze %dma_wait3A_197 : memref<1x80xi32, #tpu.memory_space<vmem>> -> memref<80xi32, #tpu.memory_space<vmem>>
        %dma_wait3A_199 = arith.constant 0 : i32
        %dma_wait3A_200 = arith.constant 0 : i32
        %dma_wait3A_201 = tpu.memref_slice %arg6[%dma_wait3A_199, %dma_wait3A_200] : memref<10000x128xf32, #tpu.memory_space<vmem_shared>> -> memref<10000x128xf32, #tpu.memory_space<vmem_shared>>
        tpu.wait_indirect_dma semaphore(%arg18 : memref<!tpu.dma_semaphore, #tpu.memory_space<semaphore_mem>>) src(%arg8 : memref<80x128xf32, #tpu.memory_space<vmem>>) dst(%dma_wait3A_201 : memref<10000x128xf32, #tpu.memory_space<vmem_shared>>)
      } else {
      }
      %add3A_99 = arith.constant 1 : i32
      %add3A_100 = arith.addi %mul3A_94, %add3A_99 : i32
      %mul3A_101 = arith.constant 80 : i32
      %mul3A_102 = arith.muli %add3A_100, %mul3A_101 : i32
      %add3A_103 = arith.addi %mul3A_2, %mul3A_102 : i32
      %dma_wait3A_104 = tpu.memref_slice %arg2[%add3A_103] : memref<320000xi32, #tpu.memory_space<hbm>> -> memref<80xi32, #tpu.memory_space<hbm>>
      %dma_wait3A_105 = tpu.memref_slice %arg2[%add3A_103] : memref<320000xi32, #tpu.memory_space<hbm>> -> memref<80xi32, #tpu.memory_space<hbm>>
      tpu.wait_dma2 semaphore(%arg21 : memref<!tpu.dma_semaphore, #tpu.memory_space<semaphore_mem>>) src(%dma_wait3A_105 : memref<80xi32, #tpu.memory_space<hbm>>) dst(%arg11 : memref<80xi32, #tpu.memory_space<vmem>>)
      %dma_start3A_106 = arith.constant 0 : i32
      %dma_start3A_107 = arith.constant 0 : i32
      %dma_start3A_108 = tpu.memref_slice %arg4[%dma_start3A_106, %dma_start3A_107] : memref<81920x128xf32, #tpu.memory_space<hbm>> -> memref<81920x128xf32, #tpu.memory_space<hbm>>
      tpu.enqueue_indirect_dma source(%dma_start3A_108 : memref<81920x128xf32, #tpu.memory_space<hbm>>) target(%arg8 : memref<80x128xf32, #tpu.memory_space<vmem>>) offsets(%arg11 : memref<80xi32, #tpu.memory_space<vmem>>) semaphore(%arg15 : memref<!tpu.dma_semaphore, #tpu.memory_space<semaphore_mem>>)
      %add3A_109 = arith.constant 2 : i32
      %add3A_110 = arith.addi %mul3A_94, %add3A_109 : i32
      %mul3A_111 = arith.constant 80 : i32
      %mul3A_112 = arith.muli %add3A_110, %mul3A_111 : i32
      %add3A_113 = arith.addi %mul3A_2, %mul3A_112 : i32
      %dma_start3A_114 = tpu.memref_slice %arg2[%add3A_113] : memref<320000xi32, #tpu.memory_space<hbm>> -> memref<80xi32, #tpu.memory_space<hbm>>
      %dma_start3A_115 = tpu.memref_slice %arg2[%add3A_113] : memref<320000xi32, #tpu.memory_space<hbm>> -> memref<80xi32, #tpu.memory_space<hbm>>
      tpu.enqueue_dma source(%dma_start3A_115 : memref<80xi32, #tpu.memory_space<hbm>>) target(%arg12 : memref<80xi32, #tpu.memory_space<vmem>>) target_semaphore(%arg22 : memref<!tpu.dma_semaphore, #tpu.memory_space<semaphore_mem>>)
      %dma_wait3A_116 = arith.constant 0 : i32
      %dma_wait3A_117 = arith.constant 0 : i32
      %dma_wait3A_118 = tpu.memref_slice %arg4[%dma_wait3A_116, %dma_wait3A_117] : memref<81920x128xf32, #tpu.memory_space<hbm>> -> memref<81920x128xf32, #tpu.memory_space<hbm>>
      tpu.wait_indirect_dma semaphore(%arg14 : memref<!tpu.dma_semaphore, #tpu.memory_space<semaphore_mem>>) src(%dma_wait3A_118 : memref<81920x128xf32, #tpu.memory_space<hbm>>) dst(%arg7 : memref<80x128xf32, #tpu.memory_space<vmem>>)
      %dma_start3A_119 = arith.constant 0 : i32
      %dma_start3A_120 = tpu.memref_slice %arg13[%mul3A_94, %dma_start3A_119] : memref<125x80xi32, #tpu.memory_space<vmem>> -> memref<1x80xi32, #tpu.memory_space<vmem>>
      %dma_start3A_121 = tpu.memref_squeeze %dma_start3A_120 : memref<1x80xi32, #tpu.memory_space<vmem>> -> memref<80xi32, #tpu.memory_space<vmem>>
      %dma_start3A_122 = arith.constant 0 : i32
      %dma_start3A_123 = arith.constant 0 : i32
      %dma_start3A_124 = tpu.memref_slice %arg6[%dma_start3A_122, %dma_start3A_123] : memref<10000x128xf32, #tpu.memory_space<vmem_shared>> -> memref<10000x128xf32, #tpu.memory_space<vmem_shared>>
      tpu.enqueue_indirect_dma source(%arg7 : memref<80x128xf32, #tpu.memory_space<vmem>>) target(%dma_start3A_124 : memref<10000x128xf32, #tpu.memory_space<vmem_shared>>) offsets(%dma_start3A_121 : memref<80xi32, #tpu.memory_space<vmem>>) semaphore(%arg17 : memref<!tpu.dma_semaphore, #tpu.memory_space<semaphore_mem>>) {add = true}
      %mul3A_125 = arith.constant 3 : i32
      %mul3A_126 = arith.muli %mul3A_125, %scan3A_92 : i32
      %add3A_127 = arith.constant 1 : i32
      %add3A_128 = arith.addi %mul3A_126, %add3A_127 : i32
      %ge3A_129 = arith.constant 2 : i32
      %ge3A_130 = arith.cmpi sge, %add3A_128, %ge3A_129 : i32
      %convert_element_type3A_131 = arith.extui %ge3A_130 : i1 to i32
      %cond3A_132 = arith.constant 0 : i32
      %cond3A_133 = arith.cmpi ne, %convert_element_type3A_131, %cond3A_132 : i32
      scf.if %cond3A_133 {
        %sub3A = arith.constant 2 : i32
        %sub3A_195 = arith.subi %add3A_128, %sub3A : i32
        %dma_wait3A_196 = arith.constant 0 : i32
        %dma_wait3A_197 = tpu.memref_slice %arg13[%sub3A_195, %dma_wait3A_196] : memref<125x80xi32, #tpu.memory_space<vmem>> -> memref<1x80xi32, #tpu.memory_space<vmem>>
        %dma_wait3A_198 = tpu.memref_squeeze %dma_wait3A_197 : memref<1x80xi32, #tpu.memory_space<vmem>> -> memref<80xi32, #tpu.memory_space<vmem>>
        %dma_wait3A_199 = arith.constant 0 : i32
        %dma_wait3A_200 = arith.constant 0 : i32
        %dma_wait3A_201 = tpu.memref_slice %arg6[%dma_wait3A_199, %dma_wait3A_200] : memref<10000x128xf32, #tpu.memory_space<vmem_shared>> -> memref<10000x128xf32, #tpu.memory_space<vmem_shared>>
        tpu.wait_indirect_dma semaphore(%arg19 : memref<!tpu.dma_semaphore, #tpu.memory_space<semaphore_mem>>) src(%arg9 : memref<80x128xf32, #tpu.memory_space<vmem>>) dst(%dma_wait3A_201 : memref<10000x128xf32, #tpu.memory_space<vmem_shared>>)
      } else {
      }
      %add3A_134 = arith.constant 1 : i32
      %add3A_135 = arith.addi %add3A_128, %add3A_134 : i32
      %mul3A_136 = arith.constant 80 : i32
      %mul3A_137 = arith.muli %add3A_135, %mul3A_136 : i32
      %add3A_138 = arith.addi %mul3A_2, %mul3A_137 : i32
      %dma_wait3A_139 = tpu.memref_slice %arg2[%add3A_138] : memref<320000xi32, #tpu.memory_space<hbm>> -> memref<80xi32, #tpu.memory_space<hbm>>
      %dma_wait3A_140 = tpu.memref_slice %arg2[%add3A_138] : memref<320000xi32, #tpu.memory_space<hbm>> -> memref<80xi32, #tpu.memory_space<hbm>>
      tpu.wait_dma2 semaphore(%arg22 : memref<!tpu.dma_semaphore, #tpu.memory_space<semaphore_mem>>) src(%dma_wait3A_140 : memref<80xi32, #tpu.memory_space<hbm>>) dst(%arg12 : memref<80xi32, #tpu.memory_space<vmem>>)
      %dma_start3A_141 = arith.constant 0 : i32
      %dma_start3A_142 = arith.constant 0 : i32
      %dma_start3A_143 = tpu.memref_slice %arg4[%dma_start3A_141, %dma_start3A_142] : memref<81920x128xf32, #tpu.memory_space<hbm>> -> memref<81920x128xf32, #tpu.memory_space<hbm>>
      tpu.enqueue_indirect_dma source(%dma_start3A_143 : memref<81920x128xf32, #tpu.memory_space<hbm>>) target(%arg9 : memref<80x128xf32, #tpu.memory_space<vmem>>) offsets(%arg12 : memref<80xi32, #tpu.memory_space<vmem>>) semaphore(%arg16 : memref<!tpu.dma_semaphore, #tpu.memory_space<semaphore_mem>>)
      %add3A_144 = arith.constant 2 : i32
      %add3A_145 = arith.addi %add3A_128, %add3A_144 : i32
      %mul3A_146 = arith.constant 80 : i32
      %mul3A_147 = arith.muli %add3A_145, %mul3A_146 : i32
      %add3A_148 = arith.addi %mul3A_2, %mul3A_147 : i32
      %dma_start3A_149 = tpu.memref_slice %arg2[%add3A_148] : memref<320000xi32, #tpu.memory_space<hbm>> -> memref<80xi32, #tpu.memory_space<hbm>>
      %dma_start3A_150 = tpu.memref_slice %arg2[%add3A_148] : memref<320000xi32, #tpu.memory_space<hbm>> -> memref<80xi32, #tpu.memory_space<hbm>>
      tpu.enqueue_dma source(%dma_start3A_150 : memref<80xi32, #tpu.memory_space<hbm>>) target(%arg10 : memref<80xi32, #tpu.memory_space<vmem>>) target_semaphore(%arg20 : memref<!tpu.dma_semaphore, #tpu.memory_space<semaphore_mem>>)
      %dma_wait3A_151 = arith.constant 0 : i32
      %dma_wait3A_152 = arith.constant 0 : i32
      %dma_wait3A_153 = tpu.memref_slice %arg4[%dma_wait3A_151, %dma_wait3A_152] : memref<81920x128xf32, #tpu.memory_space<hbm>> -> memref<81920x128xf32, #tpu.memory_space<hbm>>
      tpu.wait_indirect_dma semaphore(%arg15 : memref<!tpu.dma_semaphore, #tpu.memory_space<semaphore_mem>>) src(%dma_wait3A_153 : memref<81920x128xf32, #tpu.memory_space<hbm>>) dst(%arg8 : memref<80x128xf32, #tpu.memory_space<vmem>>)
      %dma_start3A_154 = arith.constant 0 : i32
      %dma_start3A_155 = tpu.memref_slice %arg13[%add3A_128, %dma_start3A_154] : memref<125x80xi32, #tpu.memory_space<vmem>> -> memref<1x80xi32, #tpu.memory_space<vmem>>
      %dma_start3A_156 = tpu.memref_squeeze %dma_start3A_155 : memref<1x80xi32, #tpu.memory_space<vmem>> -> memref<80xi32, #tpu.memory_space<vmem>>
      %dma_start3A_157 = arith.constant 0 : i32
      %dma_start3A_158 = arith.constant 0 : i32
      %dma_start3A_159 = tpu.memref_slice %arg6[%dma_start3A_157, %dma_start3A_158] : memref<10000x128xf32, #tpu.memory_space<vmem_shared>> -> memref<10000x128xf32, #tpu.memory_space<vmem_shared>>
      tpu.enqueue_indirect_dma source(%arg8 : memref<80x128xf32, #tpu.memory_space<vmem>>) target(%dma_start3A_159 : memref<10000x128xf32, #tpu.memory_space<vmem_shared>>) offsets(%dma_start3A_156 : memref<80xi32, #tpu.memory_space<vmem>>) semaphore(%arg18 : memref<!tpu.dma_semaphore, #tpu.memory_space<semaphore_mem>>) {add = true}
      %mul3A_160 = arith.constant 3 : i32
      %mul3A_161 = arith.muli %mul3A_160, %scan3A_92 : i32
      %add3A_162 = arith.constant 2 : i32
      %add3A_163 = arith.addi %mul3A_161, %add3A_162 : i32
      %ge3A_164 = arith.constant 2 : i32
      %ge3A_165 = arith.cmpi sge, %add3A_163, %ge3A_164 : i32
      %convert_element_type3A_166 = arith.extui %ge3A_165 : i1 to i32
      %cond3A_167 = arith.constant 0 : i32
      %cond3A_168 = arith.cmpi ne, %convert_element_type3A_166, %cond3A_167 : i32
      scf.if %cond3A_168 {
        %sub3A = arith.constant 2 : i32
        %sub3A_195 = arith.subi %add3A_163, %sub3A : i32
        %dma_wait3A_196 = arith.constant 0 : i32
        %dma_wait3A_197 = tpu.memref_slice %arg13[%sub3A_195, %dma_wait3A_196] : memref<125x80xi32, #tpu.memory_space<vmem>> -> memref<1x80xi32, #tpu.memory_space<vmem>>
        %dma_wait3A_198 = tpu.memref_squeeze %dma_wait3A_197 : memref<1x80xi32, #tpu.memory_space<vmem>> -> memref<80xi32, #tpu.memory_space<vmem>>
        %dma_wait3A_199 = arith.constant 0 : i32
        %dma_wait3A_200 = arith.constant 0 : i32
        %dma_wait3A_201 = tpu.memref_slice %arg6[%dma_wait3A_199, %dma_wait3A_200] : memref<10000x128xf32, #tpu.memory_space<vmem_shared>> -> memref<10000x128xf32, #tpu.memory_space<vmem_shared>>
        tpu.wait_indirect_dma semaphore(%arg17 : memref<!tpu.dma_semaphore, #tpu.memory_space<semaphore_mem>>) src(%arg7 : memref<80x128xf32, #tpu.memory_space<vmem>>) dst(%dma_wait3A_201 : memref<10000x128xf32, #tpu.memory_space<vmem_shared>>)
      } else {
      }
      %add3A_169 = arith.constant 1 : i32
      %add3A_170 = arith.addi %add3A_163, %add3A_169 : i32
      %mul3A_171 = arith.constant 80 : i32
      %mul3A_172 = arith.muli %add3A_170, %mul3A_171 : i32
      %add3A_173 = arith.addi %mul3A_2, %mul3A_172 : i32
      %dma_wait3A_174 = tpu.memref_slice %arg2[%add3A_173] : memref<320000xi32, #tpu.memory_space<hbm>> -> memref<80xi32, #tpu.memory_space<hbm>>
      %dma_wait3A_175 = tpu.memref_slice %arg2[%add3A_173] : memref<320000xi32, #tpu.memory_space<hbm>> -> memref<80xi32, #tpu.memory_space<hbm>>
      tpu.wait_dma2 semaphore(%arg20 : memref<!tpu.dma_semaphore, #tpu.memory_space<semaphore_mem>>) src(%dma_wait3A_175 : memref<80xi32, #tpu.memory_space<hbm>>) dst(%arg10 : memref<80xi32, #tpu.memory_space<vmem>>)
      %dma_start3A_176 = arith.constant 0 : i32
      %dma_start3A_177 = arith.constant 0 : i32
      %dma_start3A_178 = tpu.memref_slice %arg4[%dma_start3A_176, %dma_start3A_177] : memref<81920x128xf32, #tpu.memory_space<hbm>> -> memref<81920x128xf32, #tpu.memory_space<hbm>>
      tpu.enqueue_indirect_dma source(%dma_start3A_178 : memref<81920x128xf32, #tpu.memory_space<hbm>>) target(%arg7 : memref<80x128xf32, #tpu.memory_space<vmem>>) offsets(%arg10 : memref<80xi32, #tpu.memory_space<vmem>>) semaphore(%arg14 : memref<!tpu.dma_semaphore, #tpu.memory_space<semaphore_mem>>)
      %add3A_179 = arith.constant 2 : i32
      %add3A_180 = arith.addi %add3A_163, %add3A_179 : i32
      %mul3A_181 = arith.constant 80 : i32
      %mul3A_182 = arith.muli %add3A_180, %mul3A_181 : i32
      %add3A_183 = arith.addi %mul3A_2, %mul3A_182 : i32
      %dma_start3A_184 = tpu.memref_slice %arg2[%add3A_183] : memref<320000xi32, #tpu.memory_space<hbm>> -> memref<80xi32, #tpu.memory_space<hbm>>
      %dma_start3A_185 = tpu.memref_slice %arg2[%add3A_183] : memref<320000xi32, #tpu.memory_space<hbm>> -> memref<80xi32, #tpu.memory_space<hbm>>
      tpu.enqueue_dma source(%dma_start3A_185 : memref<80xi32, #tpu.memory_space<hbm>>) target(%arg11 : memref<80xi32, #tpu.memory_space<vmem>>) target_semaphore(%arg21 : memref<!tpu.dma_semaphore, #tpu.memory_space<semaphore_mem>>)
      %dma_wait3A_186 = arith.constant 0 : i32
      %dma_wait3A_187 = arith.constant 0 : i32
      %dma_wait3A_188 = tpu.memref_slice %arg4[%dma_wait3A_186, %dma_wait3A_187] : memref<81920x128xf32, #tpu.memory_space<hbm>> -> memref<81920x128xf32, #tpu.memory_space<hbm>>
      tpu.wait_indirect_dma semaphore(%arg16 : memref<!tpu.dma_semaphore, #tpu.memory_space<semaphore_mem>>) src(%dma_wait3A_188 : memref<81920x128xf32, #tpu.memory_space<hbm>>) dst(%arg9 : memref<80x128xf32, #tpu.memory_space<vmem>>)
      %dma_start3A_189 = arith.constant 0 : i32
      %dma_start3A_190 = tpu.memref_slice %arg13[%add3A_163, %dma_start3A_189] : memref<125x80xi32, #tpu.memory_space<vmem>> -> memref<1x80xi32, #tpu.memory_space<vmem>>
      %dma_start3A_191 = tpu.memref_squeeze %dma_start3A_190 : memref<1x80xi32, #tpu.memory_space<vmem>> -> memref<80xi32, #tpu.memory_space<vmem>>
      %dma_start3A_192 = arith.constant 0 : i32
      %dma_start3A_193 = arith.constant 0 : i32
      %dma_start3A_194 = tpu.memref_slice %arg6[%dma_start3A_192, %dma_start3A_193] : memref<10000x128xf32, #tpu.memory_space<vmem_shared>> -> memref<10000x128xf32, #tpu.memory_space<vmem_shared>>
      tpu.enqueue_indirect_dma source(%arg9 : memref<80x128xf32, #tpu.memory_space<vmem>>) target(%dma_start3A_194 : memref<10000x128xf32, #tpu.memory_space<vmem_shared>>) offsets(%dma_start3A_191 : memref<80xi32, #tpu.memory_space<vmem>>) semaphore(%arg19 : memref<!tpu.dma_semaphore, #tpu.memory_space<semaphore_mem>>) {add = true}
    }
    %scan3A_29 = arith.constant 41 : i32
    %dma_wait3A_30 = arith.constant 121 : i32
    %dma_wait3A_31 = arith.constant 0 : i32
    %dma_wait3A_32 = tpu.memref_slice %arg13[%dma_wait3A_30, %dma_wait3A_31] : memref<125x80xi32, #tpu.memory_space<vmem>> -> memref<1x80xi32, #tpu.memory_space<vmem>>
    %dma_wait3A_33 = tpu.memref_squeeze %dma_wait3A_32 : memref<1x80xi32, #tpu.memory_space<vmem>> -> memref<80xi32, #tpu.memory_space<vmem>>
    %dma_wait3A_34 = arith.constant 0 : i32
    %dma_wait3A_35 = arith.constant 0 : i32
    %dma_wait3A_36 = tpu.memref_slice %arg6[%dma_wait3A_34, %dma_wait3A_35] : memref<10000x128xf32, #tpu.memory_space<vmem_shared>> -> memref<10000x128xf32, #tpu.memory_space<vmem_shared>>
    tpu.wait_indirect_dma semaphore(%arg18 : memref<!tpu.dma_semaphore, #tpu.memory_space<semaphore_mem>>) src(%arg8 : memref<80x128xf32, #tpu.memory_space<vmem>>) dst(%dma_wait3A_36 : memref<10000x128xf32, #tpu.memory_space<vmem_shared>>)
    %add3A_37 = arith.constant 9920 : i32
    %add3A_38 = arith.addi %mul3A_2, %add3A_37 : i32
    %dma_wait3A_39 = tpu.memref_slice %arg2[%add3A_38] : memref<320000xi32, #tpu.memory_space<hbm>> -> memref<80xi32, #tpu.memory_space<hbm>>
    %dma_wait3A_40 = tpu.memref_slice %arg2[%add3A_38] : memref<320000xi32, #tpu.memory_space<hbm>> -> memref<80xi32, #tpu.memory_space<hbm>>
    tpu.wait_dma2 semaphore(%arg21 : memref<!tpu.dma_semaphore, #tpu.memory_space<semaphore_mem>>) src(%dma_wait3A_40 : memref<80xi32, #tpu.memory_space<hbm>>) dst(%arg11 : memref<80xi32, #tpu.memory_space<vmem>>)
    %dma_start3A_41 = arith.constant 0 : i32
    %dma_start3A_42 = arith.constant 0 : i32
    %dma_start3A_43 = tpu.memref_slice %arg4[%dma_start3A_41, %dma_start3A_42] : memref<81920x128xf32, #tpu.memory_space<hbm>> -> memref<81920x128xf32, #tpu.memory_space<hbm>>
    tpu.enqueue_indirect_dma source(%dma_start3A_43 : memref<81920x128xf32, #tpu.memory_space<hbm>>) target(%arg8 : memref<80x128xf32, #tpu.memory_space<vmem>>) offsets(%arg11 : memref<80xi32, #tpu.memory_space<vmem>>) semaphore(%arg15 : memref<!tpu.dma_semaphore, #tpu.memory_space<semaphore_mem>>)
    %dma_wait3A_44 = arith.constant 0 : i32
    %dma_wait3A_45 = arith.constant 0 : i32
    %dma_wait3A_46 = tpu.memref_slice %arg4[%dma_wait3A_44, %dma_wait3A_45] : memref<81920x128xf32, #tpu.memory_space<hbm>> -> memref<81920x128xf32, #tpu.memory_space<hbm>>
    tpu.wait_indirect_dma semaphore(%arg14 : memref<!tpu.dma_semaphore, #tpu.memory_space<semaphore_mem>>) src(%dma_wait3A_46 : memref<81920x128xf32, #tpu.memory_space<hbm>>) dst(%arg7 : memref<80x128xf32, #tpu.memory_space<vmem>>)
    %dma_start3A_47 = arith.constant 123 : i32
    %dma_start3A_48 = arith.constant 0 : i32
    %dma_start3A_49 = tpu.memref_slice %arg13[%dma_start3A_47, %dma_start3A_48] : memref<125x80xi32, #tpu.memory_space<vmem>> -> memref<1x80xi32, #tpu.memory_space<vmem>>
    %dma_start3A_50 = tpu.memref_squeeze %dma_start3A_49 : memref<1x80xi32, #tpu.memory_space<vmem>> -> memref<80xi32, #tpu.memory_space<vmem>>
    %dma_start3A_51 = arith.constant 0 : i32
    %dma_start3A_52 = arith.constant 0 : i32
    %dma_start3A_53 = tpu.memref_slice %arg6[%dma_start3A_51, %dma_start3A_52] : memref<10000x128xf32, #tpu.memory_space<vmem_shared>> -> memref<10000x128xf32, #tpu.memory_space<vmem_shared>>
    tpu.enqueue_indirect_dma source(%arg7 : memref<80x128xf32, #tpu.memory_space<vmem>>) target(%dma_start3A_53 : memref<10000x128xf32, #tpu.memory_space<vmem_shared>>) offsets(%dma_start3A_50 : memref<80xi32, #tpu.memory_space<vmem>>) semaphore(%arg17 : memref<!tpu.dma_semaphore, #tpu.memory_space<semaphore_mem>>) {add = true}
    %dma_wait3A_54 = arith.constant 122 : i32
    %dma_wait3A_55 = arith.constant 0 : i32
    %dma_wait3A_56 = tpu.memref_slice %arg13[%dma_wait3A_54, %dma_wait3A_55] : memref<125x80xi32, #tpu.memory_space<vmem>> -> memref<1x80xi32, #tpu.memory_space<vmem>>
    %dma_wait3A_57 = tpu.memref_squeeze %dma_wait3A_56 : memref<1x80xi32, #tpu.memory_space<vmem>> -> memref<80xi32, #tpu.memory_space<vmem>>
    %dma_wait3A_58 = arith.constant 0 : i32
    %dma_wait3A_59 = arith.constant 0 : i32
    %dma_wait3A_60 = tpu.memref_slice %arg6[%dma_wait3A_58, %dma_wait3A_59] : memref<10000x128xf32, #tpu.memory_space<vmem_shared>> -> memref<10000x128xf32, #tpu.memory_space<vmem_shared>>
    tpu.wait_indirect_dma semaphore(%arg19 : memref<!tpu.dma_semaphore, #tpu.memory_space<semaphore_mem>>) src(%arg9 : memref<80x128xf32, #tpu.memory_space<vmem>>) dst(%dma_wait3A_60 : memref<10000x128xf32, #tpu.memory_space<vmem_shared>>)
    %dma_wait3A_61 = arith.constant 0 : i32
    %dma_wait3A_62 = arith.constant 0 : i32
    %dma_wait3A_63 = tpu.memref_slice %arg4[%dma_wait3A_61, %dma_wait3A_62] : memref<81920x128xf32, #tpu.memory_space<hbm>> -> memref<81920x128xf32, #tpu.memory_space<hbm>>
    tpu.wait_indirect_dma semaphore(%arg15 : memref<!tpu.dma_semaphore, #tpu.memory_space<semaphore_mem>>) src(%dma_wait3A_63 : memref<81920x128xf32, #tpu.memory_space<hbm>>) dst(%arg8 : memref<80x128xf32, #tpu.memory_space<vmem>>)
    %dma_start3A_64 = arith.constant 124 : i32
    %dma_start3A_65 = arith.constant 0 : i32
    %dma_start3A_66 = tpu.memref_slice %arg13[%dma_start3A_64, %dma_start3A_65] : memref<125x80xi32, #tpu.memory_space<vmem>> -> memref<1x80xi32, #tpu.memory_space<vmem>>
    %dma_start3A_67 = tpu.memref_squeeze %dma_start3A_66 : memref<1x80xi32, #tpu.memory_space<vmem>> -> memref<80xi32, #tpu.memory_space<vmem>>
    %dma_start3A_68 = arith.constant 0 : i32
    %dma_start3A_69 = arith.constant 0 : i32
    %dma_start3A_70 = tpu.memref_slice %arg6[%dma_start3A_68, %dma_start3A_69] : memref<10000x128xf32, #tpu.memory_space<vmem_shared>> -> memref<10000x128xf32, #tpu.memory_space<vmem_shared>>
    tpu.enqueue_indirect_dma source(%arg8 : memref<80x128xf32, #tpu.memory_space<vmem>>) target(%dma_start3A_70 : memref<10000x128xf32, #tpu.memory_space<vmem_shared>>) offsets(%dma_start3A_67 : memref<80xi32, #tpu.memory_space<vmem>>) semaphore(%arg18 : memref<!tpu.dma_semaphore, #tpu.memory_space<semaphore_mem>>) {add = true}
    %dma_wait3A_71 = arith.constant 123 : i32
    %dma_wait3A_72 = arith.constant 0 : i32
    %dma_wait3A_73 = tpu.memref_slice %arg13[%dma_wait3A_71, %dma_wait3A_72] : memref<125x80xi32, #tpu.memory_space<vmem>> -> memref<1x80xi32, #tpu.memory_space<vmem>>
    %dma_wait3A_74 = tpu.memref_squeeze %dma_wait3A_73 : memref<1x80xi32, #tpu.memory_space<vmem>> -> memref<80xi32, #tpu.memory_space<vmem>>
    %dma_wait3A_75 = arith.constant 0 : i32
    %dma_wait3A_76 = arith.constant 0 : i32
    %dma_wait3A_77 = tpu.memref_slice %arg6[%dma_wait3A_75, %dma_wait3A_76] : memref<10000x128xf32, #tpu.memory_space<vmem_shared>> -> memref<10000x128xf32, #tpu.memory_space<vmem_shared>>
    tpu.wait_indirect_dma semaphore(%arg17 : memref<!tpu.dma_semaphore, #tpu.memory_space<semaphore_mem>>) src(%arg7 : memref<80x128xf32, #tpu.memory_space<vmem>>) dst(%dma_wait3A_77 : memref<10000x128xf32, #tpu.memory_space<vmem_shared>>)
    %dma_wait3A_78 = arith.constant 124 : i32
    %dma_wait3A_79 = arith.constant 0 : i32
    %dma_wait3A_80 = tpu.memref_slice %arg13[%dma_wait3A_78, %dma_wait3A_79] : memref<125x80xi32, #tpu.memory_space<vmem>> -> memref<1x80xi32, #tpu.memory_space<vmem>>
    %dma_wait3A_81 = tpu.memref_squeeze %dma_wait3A_80 : memref<1x80xi32, #tpu.memory_space<vmem>> -> memref<80xi32, #tpu.memory_space<vmem>>
    %dma_wait3A_82 = arith.constant 0 : i32
    %dma_wait3A_83 = arith.constant 0 : i32
    %dma_wait3A_84 = tpu.memref_slice %arg6[%dma_wait3A_82, %dma_wait3A_83] : memref<10000x128xf32, #tpu.memory_space<vmem_shared>> -> memref<10000x128xf32, #tpu.memory_space<vmem_shared>>
    tpu.wait_indirect_dma semaphore(%arg18 : memref<!tpu.dma_semaphore, #tpu.memory_space<semaphore_mem>>) src(%arg8 : memref<80x128xf32, #tpu.memory_space<vmem>>) dst(%dma_wait3A_84 : memref<10000x128xf32, #tpu.memory_space<vmem_shared>>)
    %barrier3A_85 = arith.constant 0 : index
    tpu.barrier barrier_id(%barrier3A_85)
    %lt3A = arith.constant 15 : i32
    %lt3A_86 = arith.cmpi slt, %arg1, %lt3A : i32
    %convert_element_type3A = arith.extui %lt3A_86 : i1 to i32
    %cond3A = arith.constant 0 : i32
    %cond3A_87 = arith.cmpi ne, %convert_element_type3A, %cond3A : i32
    scf.if %cond3A_87 {
      %mul3A_92 = arith.constant 640 : i32
      %mul3A_93 = arith.muli %arg1, %mul3A_92 : i32
      %mul3A_94 = arith.constant 640 : i32
      %mul3A_95 = arith.muli %arg1, %mul3A_94 : i32
      "tpu.region"() ({
        %run_scoped3A = tpu.sem_alloc : memref<!tpu.dma_semaphore, #tpu.memory_space<semaphore_mem>>
        %dma_start3A_96 = arith.constant 0 : i32
        %dma_start3A_97 = tpu.memref_slice %arg5[%arg0, %mul3A_95, %dma_start3A_96] : memref<2x10000x128xf32, #tpu.memory_space<hbm>> -> memref<1x640x128xf32, #tpu.memory_space<hbm>>
        %dma_start3A_98 = tpu.memref_squeeze %dma_start3A_97 : memref<1x640x128xf32, #tpu.memory_space<hbm>> -> memref<640x128xf32, #tpu.memory_space<hbm>>
        %dma_start3A_99 = arith.constant 0 : i32
        %dma_start3A_100 = tpu.memref_slice %arg6[%mul3A_93, %dma_start3A_99] : memref<10000x128xf32, #tpu.memory_space<vmem_shared>> -> memref<640x128xf32, #tpu.memory_space<vmem_shared>>
        tpu.enqueue_dma source(%dma_start3A_100 : memref<640x128xf32, #tpu.memory_space<vmem_shared>>) target(%dma_start3A_98 : memref<640x128xf32, #tpu.memory_space<hbm>>) target_semaphore(%run_scoped3A : memref<!tpu.dma_semaphore, #tpu.memory_space<semaphore_mem>>)
        %dma_wait3A_101 = arith.constant 0 : i32
        %dma_wait3A_102 = tpu.memref_slice %arg5[%arg0, %mul3A_95, %dma_wait3A_101] : memref<2x10000x128xf32, #tpu.memory_space<hbm>> -> memref<1x640x128xf32, #tpu.memory_space<hbm>>
        %dma_wait3A_103 = tpu.memref_squeeze %dma_wait3A_102 : memref<1x640x128xf32, #tpu.memory_space<hbm>> -> memref<640x128xf32, #tpu.memory_space<hbm>>
        %dma_wait3A_104 = arith.constant 0 : i32
        %dma_wait3A_105 = tpu.memref_slice %arg6[%mul3A_93, %dma_wait3A_104] : memref<10000x128xf32, #tpu.memory_space<vmem_shared>> -> memref<640x128xf32, #tpu.memory_space<vmem_shared>>
        tpu.wait_dma2 semaphore(%run_scoped3A : memref<!tpu.dma_semaphore, #tpu.memory_space<semaphore_mem>>) src(%dma_wait3A_105 : memref<640x128xf32, #tpu.memory_space<vmem_shared>>) dst(%dma_wait3A_103 : memref<640x128xf32, #tpu.memory_space<hbm>>)
        tpu.yield
      }) : () -> ()
    } else {
    }
    %eq3A = arith.constant 15 : i32
    %eq3A_88 = arith.cmpi eq, %arg1, %eq3A : i32
    %convert_element_type3A_89 = arith.extui %eq3A_88 : i1 to i32
    %cond3A_90 = arith.constant 0 : i32
    %cond3A_91 = arith.cmpi ne, %convert_element_type3A_89, %cond3A_90 : i32
    scf.if %cond3A_91 {
      "tpu.region"() ({
        %run_scoped3A = tpu.sem_alloc : memref<!tpu.dma_semaphore, #tpu.memory_space<semaphore_mem>>
        %dma_start3A_92 = arith.constant 9600 : i32
        %dma_start3A_93 = arith.constant 0 : i32
        %dma_start3A_94 = tpu.memref_slice %arg5[%arg0, %dma_start3A_92, %dma_start3A_93] : memref<2x10000x128xf32, #tpu.memory_space<hbm>> -> memref<1x400x128xf32, #tpu.memory_space<hbm>>
        %dma_start3A_95 = tpu.memref_squeeze %dma_start3A_94 : memref<1x400x128xf32, #tpu.memory_space<hbm>> -> memref<400x128xf32, #tpu.memory_space<hbm>>
        %dma_start3A_96 = arith.constant 9600 : i32
        %dma_start3A_97 = arith.constant 0 : i32
        %dma_start3A_98 = tpu.memref_slice %arg6[%dma_start3A_96, %dma_start3A_97] : memref<10000x128xf32, #tpu.memory_space<vmem_shared>> -> memref<400x128xf32, #tpu.memory_space<vmem_shared>>
        tpu.enqueue_dma source(%dma_start3A_98 : memref<400x128xf32, #tpu.memory_space<vmem_shared>>) target(%dma_start3A_95 : memref<400x128xf32, #tpu.memory_space<hbm>>) target_semaphore(%run_scoped3A : memref<!tpu.dma_semaphore, #tpu.memory_space<semaphore_mem>>)
        %dma_wait3A_99 = arith.constant 9600 : i32
        %dma_wait3A_100 = arith.constant 0 : i32
        %dma_wait3A_101 = tpu.memref_slice %arg5[%arg0, %dma_wait3A_99, %dma_wait3A_100] : memref<2x10000x128xf32, #tpu.memory_space<hbm>> -> memref<1x400x128xf32, #tpu.memory_space<hbm>>
        %dma_wait3A_102 = tpu.memref_squeeze %dma_wait3A_101 : memref<1x400x128xf32, #tpu.memory_space<hbm>> -> memref<400x128xf32, #tpu.memory_space<hbm>>
        %dma_wait3A_103 = arith.constant 9600 : i32
        %dma_wait3A_104 = arith.constant 0 : i32
        %dma_wait3A_105 = tpu.memref_slice %arg6[%dma_wait3A_103, %dma_wait3A_104] : memref<10000x128xf32, #tpu.memory_space<vmem_shared>> -> memref<400x128xf32, #tpu.memory_space<vmem_shared>>
        tpu.wait_dma2 semaphore(%run_scoped3A : memref<!tpu.dma_semaphore, #tpu.memory_space<semaphore_mem>>) src(%dma_wait3A_105 : memref<400x128xf32, #tpu.memory_space<vmem_shared>>) dst(%dma_wait3A_102 : memref<400x128xf32, #tpu.memory_space<hbm>>)
        tpu.yield
      }) : () -> ()
    } else {
    }
    return
  }
}

module attributes {stable_mosaic.version = 14 : i64} {
  func.func @_mm_body(%arg0: i32, %arg1: memref<1024x128xf32, #tpu.memory_space<vmem>>, %arg2: memref<128x1024xf32, #tpu.memory_space<vmem>>, %arg3: memref<32x8x1024xf32, #tpu.memory_space<vmem>>, %arg4: memref<1x128xf32, #tpu.memory_space<vmem>>, %arg5: memref<1x128xf32, #tpu.memory_space<vmem>>, %arg6: memref<1024x1024xf32, #tpu.memory_space<vmem>>, %arg7: memref<2x128xf32, #tpu.memory_space<vmem>>, %arg8: memref<1x128xf32, #tpu.memory_space<vmem>>, %arg9: memref<1x128xf32, #tpu.memory_space<vmem>>) attributes {dimension_semantics = [#tpu.dimension_semantics<arbitrary>], iteration_bounds = array<i64: 10>, scalar_prefetch = 0 : i64, scratch_operands = 2 : i64, tpu.core_type = #tpu.core_type<tc>, window_params = [{transform_indices = @transform_0, window_bounds = array<i64: 1024, 128>}, {pipeline_mode = #tpu.pipeline_mode<synchronous>, transform_indices = @transform_1, window_bounds = array<i64: 128, 1024>}, {transform_indices = @transform_2, window_bounds = array<i64: 32, 8, 1024>}, {pipeline_mode = #tpu.pipeline_mode<synchronous>, transform_indices = @transform_3, window_bounds = array<i64: 1, 128>}, {pipeline_mode = #tpu.pipeline_mode<synchronous>, transform_indices = @transform_4, window_bounds = array<i64: 1, 128>}, {transform_indices = @transform_5, window_bounds = array<i64: 1024, 1024>}, {pipeline_mode = #tpu.pipeline_mode<synchronous>, transform_indices = @transform_6, window_bounds = array<i64: 2, 128>}]} {
    %eq3A = arith.constant 0 : i32
    %eq3A_0 = arith.cmpi eq, %arg0, %eq3A : i32
    %convert_element_type3A = arith.extui %eq3A_0 : i1 to i32
    %cond3A = arith.constant 0 : i32
    %cond3A_1 = arith.cmpi ne, %convert_element_type3A, %cond3A : i32
    scf.if %cond3A_1 {
      %broadcast_in_dim3A = arith.constant 0.000000e+00 : f32
      %broadcast_in_dim3A_152 = vector.broadcast %broadcast_in_dim3A : f32 to vector<1x128xf32>
      %swap3A_153 = arith.constant 0 : index
      %swap3A_154 = arith.constant 0 : index
      %swap3A_155 = vector.load %arg8[%swap3A_153, %swap3A_154] : memref<1x128xf32, #tpu.memory_space<vmem>>, vector<1x128xf32>
      tpu.vector_store %arg8[%swap3A_153, %swap3A_154], %broadcast_in_dim3A_152 {strides = array<i32>} : memref<1x128xf32, #tpu.memory_space<vmem>>, vector<1x128xf32>,
      %broadcast_in_dim3A_156 = arith.constant 0.000000e+00 : f32
      %broadcast_in_dim3A_157 = vector.broadcast %broadcast_in_dim3A_156 : f32 to vector<1x128xf32>
      %swap3A_158 = arith.constant 0 : index
      %swap3A_159 = arith.constant 0 : index
      %swap3A_160 = vector.load %arg9[%swap3A_158, %swap3A_159] : memref<1x128xf32, #tpu.memory_space<vmem>>, vector<1x128xf32>
      tpu.vector_store %arg9[%swap3A_158, %swap3A_159], %broadcast_in_dim3A_157 {strides = array<i32>} : memref<1x128xf32, #tpu.memory_space<vmem>>, vector<1x128xf32>,
    } else {
    }
    %get3A = arith.constant 0 : index
    %get3A_2 = arith.constant 0 : index
    %get3A_3 = vector.load %arg1[%get3A, %get3A_2] : memref<1024x128xf32, #tpu.memory_space<vmem>>, vector<1024x128xf32>
    %get3A_4 = arith.constant 0 : index
    %get3A_5 = arith.constant 0 : index
    %get3A_6 = vector.load %arg2[%get3A_4, %get3A_5] : memref<128x1024xf32, #tpu.memory_space<vmem>>, vector<128x1024xf32>
    %dot_general3A = arith.constant dense<0.000000e+00> : vector<1024x1024xf32>
    %dot_general3A_7 = tpu.matmul %get3A_3, %get3A_6, %dot_general3A {dimension_numbers = #tpu.dot_dimension_numbers<[1], [0], [0], [1], [0, 0, 1, 1], [], []>, transpose_lhs_hint = false} : vector<1024x128xf32>, vector<128x1024xf32>, vector<1024x1024xf32> -> vector<1024x1024xf32>
    %max3A = arith.constant 0.000000e+00 : f32
    %max3A_8 = vector.broadcast %max3A : f32 to vector<1024x1024xf32>
    %max3A_9 = arith.maximumf %dot_general3A_7, %max3A_8 : vector<1024x1024xf32>
    %swap3A = arith.constant 0 : index
    %swap3A_10 = arith.constant 0 : index
    %swap3A_11 = vector.load %arg6[%swap3A, %swap3A_10] : memref<1024x1024xf32, #tpu.memory_space<vmem>>, vector<1024x1024xf32>
    tpu.vector_store %arg6[%swap3A, %swap3A_10], %max3A_9 {strides = array<i32>} : memref<1024x1024xf32, #tpu.memory_space<vmem>>, vector<1024x1024xf32>,
    %get3A_12 = arith.constant 0 : index
    %get3A_13 = arith.constant 0 : index
    %get3A_14 = arith.constant 0 : index
    %get3A_15 = vector.load %arg3[%get3A_12, %get3A_13, %get3A_14] : memref<32x8x1024xf32, #tpu.memory_space<vmem>>, vector<32x8x1024xf32>
    %reduce_sum3A = arith.constant dense<0.000000e+00> : vector<8x1024xf32>
    %reduce_sum3A_16 = vector.multi_reduction <add>, %get3A_15, %reduce_sum3A [0] : vector<32x8x1024xf32> to vector<8x1024xf32>
    %dot_general3A_17 = arith.constant dense<0.000000e+00> : vector<8x1024xf32>
    %dot_general3A_18 = tpu.matmul %reduce_sum3A_16, %max3A_9, %dot_general3A_17 {dimension_numbers = #tpu.dot_dimension_numbers<[1], [0], [0], [1], [0, 0, 1, 1], [], []>, transpose_lhs_hint = false} : vector<8x1024xf32>, vector<1024x1024xf32>, vector<8x1024xf32> -> vector<8x1024xf32>
    %mul3A = arith.mulf %max3A_9, %max3A_9 : vector<1024x1024xf32>
    %dot_general3A_19 = arith.constant dense<0.000000e+00> : vector<8x1024xf32>
    %dot_general3A_20 = tpu.matmul %reduce_sum3A_16, %mul3A, %dot_general3A_19 {dimension_numbers = #tpu.dot_dimension_numbers<[1], [0], [0], [1], [0, 0, 1, 1], [], []>, transpose_lhs_hint = false} : vector<8x1024xf32>, vector<1024x1024xf32>, vector<8x1024xf32> -> vector<8x1024xf32>
    %get3A_21 = arith.constant 0 : index
    %get3A_22 = arith.constant 0 : index
    %get3A_23 = vector.load %arg8[%get3A_21, %get3A_22] : memref<1x128xf32, #tpu.memory_space<vmem>>, vector<1x128xf32>
    %slice3A = vector.extract_strided_slice %dot_general3A_18 {offsets = [0, 0], sizes = [1, 128], strides = [1, 1]} : vector<8x1024xf32> to vector<1x128xf32>
    %add3A = arith.addf %get3A_23, %slice3A : vector<1x128xf32>
    %swap3A_24 = arith.constant 0 : index
    %swap3A_25 = arith.constant 0 : index
    %swap3A_26 = vector.load %arg8[%swap3A_24, %swap3A_25] : memref<1x128xf32, #tpu.memory_space<vmem>>, vector<1x128xf32>
    tpu.vector_store %arg8[%swap3A_24, %swap3A_25], %add3A {strides = array<i32>} : memref<1x128xf32, #tpu.memory_space<vmem>>, vector<1x128xf32>,
    %get3A_27 = arith.constant 0 : index
    %get3A_28 = arith.constant 0 : index
    %get3A_29 = vector.load %arg9[%get3A_27, %get3A_28] : memref<1x128xf32, #tpu.memory_space<vmem>>, vector<1x128xf32>
    %slice3A_30 = vector.extract_strided_slice %dot_general3A_20 {offsets = [0, 0], sizes = [1, 128], strides = [1, 1]} : vector<8x1024xf32> to vector<1x128xf32>
    %add3A_31 = arith.addf %get3A_29, %slice3A_30 : vector<1x128xf32>
    %swap3A_32 = arith.constant 0 : index
    %swap3A_33 = arith.constant 0 : index
    %swap3A_34 = vector.load %arg9[%swap3A_32, %swap3A_33] : memref<1x128xf32, #tpu.memory_space<vmem>>, vector<1x128xf32>
    tpu.vector_store %arg9[%swap3A_32, %swap3A_33], %add3A_31 {strides = array<i32>} : memref<1x128xf32, #tpu.memory_space<vmem>>, vector<1x128xf32>,
    %get3A_35 = arith.constant 0 : index
    %get3A_36 = arith.constant 0 : index
    %get3A_37 = vector.load %arg8[%get3A_35, %get3A_36] : memref<1x128xf32, #tpu.memory_space<vmem>>, vector<1x128xf32>
    %slice3A_38 = vector.extract_strided_slice %dot_general3A_18 {offsets = [1, 128], sizes = [1, 128], strides = [1, 1]} : vector<8x1024xf32> to vector<1x128xf32>
    %add3A_39 = arith.addf %get3A_37, %slice3A_38 : vector<1x128xf32>
    %swap3A_40 = arith.constant 0 : index
    %swap3A_41 = arith.constant 0 : index
    %swap3A_42 = vector.load %arg8[%swap3A_40, %swap3A_41] : memref<1x128xf32, #tpu.memory_space<vmem>>, vector<1x128xf32>
    tpu.vector_store %arg8[%swap3A_40, %swap3A_41], %add3A_39 {strides = array<i32>} : memref<1x128xf32, #tpu.memory_space<vmem>>, vector<1x128xf32>,
    %get3A_43 = arith.constant 0 : index
    %get3A_44 = arith.constant 0 : index
    %get3A_45 = vector.load %arg9[%get3A_43, %get3A_44] : memref<1x128xf32, #tpu.memory_space<vmem>>, vector<1x128xf32>
    %slice3A_46 = vector.extract_strided_slice %dot_general3A_20 {offsets = [1, 128], sizes = [1, 128], strides = [1, 1]} : vector<8x1024xf32> to vector<1x128xf32>
    %add3A_47 = arith.addf %get3A_45, %slice3A_46 : vector<1x128xf32>
    %swap3A_48 = arith.constant 0 : index
    %swap3A_49 = arith.constant 0 : index
    %swap3A_50 = vector.load %arg9[%swap3A_48, %swap3A_49] : memref<1x128xf32, #tpu.memory_space<vmem>>, vector<1x128xf32>
    tpu.vector_store %arg9[%swap3A_48, %swap3A_49], %add3A_47 {strides = array<i32>} : memref<1x128xf32, #tpu.memory_space<vmem>>, vector<1x128xf32>,
    %get3A_51 = arith.constant 0 : index
    %get3A_52 = arith.constant 0 : index
    %get3A_53 = vector.load %arg8[%get3A_51, %get3A_52] : memref<1x128xf32, #tpu.memory_space<vmem>>, vector<1x128xf32>
    %slice3A_54 = vector.extract_strided_slice %dot_general3A_18 {offsets = [2, 256], sizes = [1, 128], strides = [1, 1]} : vector<8x1024xf32> to vector<1x128xf32>
    %add3A_55 = arith.addf %get3A_53, %slice3A_54 : vector<1x128xf32>
    %swap3A_56 = arith.constant 0 : index
    %swap3A_57 = arith.constant 0 : index
    %swap3A_58 = vector.load %arg8[%swap3A_56, %swap3A_57] : memref<1x128xf32, #tpu.memory_space<vmem>>, vector<1x128xf32>
    tpu.vector_store %arg8[%swap3A_56, %swap3A_57], %add3A_55 {strides = array<i32>} : memref<1x128xf32, #tpu.memory_space<vmem>>, vector<1x128xf32>,
    %get3A_59 = arith.constant 0 : index
    %get3A_60 = arith.constant 0 : index
    %get3A_61 = vector.load %arg9[%get3A_59, %get3A_60] : memref<1x128xf32, #tpu.memory_space<vmem>>, vector<1x128xf32>
    %slice3A_62 = vector.extract_strided_slice %dot_general3A_20 {offsets = [2, 256], sizes = [1, 128], strides = [1, 1]} : vector<8x1024xf32> to vector<1x128xf32>
    %add3A_63 = arith.addf %get3A_61, %slice3A_62 : vector<1x128xf32>
    %swap3A_64 = arith.constant 0 : index
    %swap3A_65 = arith.constant 0 : index
    %swap3A_66 = vector.load %arg9[%swap3A_64, %swap3A_65] : memref<1x128xf32, #tpu.memory_space<vmem>>, vector<1x128xf32>
    tpu.vector_store %arg9[%swap3A_64, %swap3A_65], %add3A_63 {strides = array<i32>} : memref<1x128xf32, #tpu.memory_space<vmem>>, vector<1x128xf32>,
    %get3A_67 = arith.constant 0 : index
    %get3A_68 = arith.constant 0 : index
    %get3A_69 = vector.load %arg8[%get3A_67, %get3A_68] : memref<1x128xf32, #tpu.memory_space<vmem>>, vector<1x128xf32>
    %slice3A_70 = vector.extract_strided_slice %dot_general3A_18 {offsets = [3, 384], sizes = [1, 128], strides = [1, 1]} : vector<8x1024xf32> to vector<1x128xf32>
    %add3A_71 = arith.addf %get3A_69, %slice3A_70 : vector<1x128xf32>
    %swap3A_72 = arith.constant 0 : index
    %swap3A_73 = arith.constant 0 : index
    %swap3A_74 = vector.load %arg8[%swap3A_72, %swap3A_73] : memref<1x128xf32, #tpu.memory_space<vmem>>, vector<1x128xf32>
    tpu.vector_store %arg8[%swap3A_72, %swap3A_73], %add3A_71 {strides = array<i32>} : memref<1x128xf32, #tpu.memory_space<vmem>>, vector<1x128xf32>,
    %get3A_75 = arith.constant 0 : index
    %get3A_76 = arith.constant 0 : index
    %get3A_77 = vector.load %arg9[%get3A_75, %get3A_76] : memref<1x128xf32, #tpu.memory_space<vmem>>, vector<1x128xf32>
    %slice3A_78 = vector.extract_strided_slice %dot_general3A_20 {offsets = [3, 384], sizes = [1, 128], strides = [1, 1]} : vector<8x1024xf32> to vector<1x128xf32>
    %add3A_79 = arith.addf %get3A_77, %slice3A_78 : vector<1x128xf32>
    %swap3A_80 = arith.constant 0 : index
    %swap3A_81 = arith.constant 0 : index
    %swap3A_82 = vector.load %arg9[%swap3A_80, %swap3A_81] : memref<1x128xf32, #tpu.memory_space<vmem>>, vector<1x128xf32>
    tpu.vector_store %arg9[%swap3A_80, %swap3A_81], %add3A_79 {strides = array<i32>} : memref<1x128xf32, #tpu.memory_space<vmem>>, vector<1x128xf32>,
    %get3A_83 = arith.constant 0 : index
    %get3A_84 = arith.constant 0 : index
    %get3A_85 = vector.load %arg8[%get3A_83, %get3A_84] : memref<1x128xf32, #tpu.memory_space<vmem>>, vector<1x128xf32>
    %slice3A_86 = vector.extract_strided_slice %dot_general3A_18 {offsets = [4, 512], sizes = [1, 128], strides = [1, 1]} : vector<8x1024xf32> to vector<1x128xf32>
    %add3A_87 = arith.addf %get3A_85, %slice3A_86 : vector<1x128xf32>
    %swap3A_88 = arith.constant 0 : index
    %swap3A_89 = arith.constant 0 : index
    %swap3A_90 = vector.load %arg8[%swap3A_88, %swap3A_89] : memref<1x128xf32, #tpu.memory_space<vmem>>, vector<1x128xf32>
    tpu.vector_store %arg8[%swap3A_88, %swap3A_89], %add3A_87 {strides = array<i32>} : memref<1x128xf32, #tpu.memory_space<vmem>>, vector<1x128xf32>,
    %get3A_91 = arith.constant 0 : index
    %get3A_92 = arith.constant 0 : index
    %get3A_93 = vector.load %arg9[%get3A_91, %get3A_92] : memref<1x128xf32, #tpu.memory_space<vmem>>, vector<1x128xf32>
    %slice3A_94 = vector.extract_strided_slice %dot_general3A_20 {offsets = [4, 512], sizes = [1, 128], strides = [1, 1]} : vector<8x1024xf32> to vector<1x128xf32>
    %add3A_95 = arith.addf %get3A_93, %slice3A_94 : vector<1x128xf32>
    %swap3A_96 = arith.constant 0 : index
    %swap3A_97 = arith.constant 0 : index
    %swap3A_98 = vector.load %arg9[%swap3A_96, %swap3A_97] : memref<1x128xf32, #tpu.memory_space<vmem>>, vector<1x128xf32>
    tpu.vector_store %arg9[%swap3A_96, %swap3A_97], %add3A_95 {strides = array<i32>} : memref<1x128xf32, #tpu.memory_space<vmem>>, vector<1x128xf32>,
    %get3A_99 = arith.constant 0 : index
    %get3A_100 = arith.constant 0 : index
    %get3A_101 = vector.load %arg8[%get3A_99, %get3A_100] : memref<1x128xf32, #tpu.memory_space<vmem>>, vector<1x128xf32>
    %slice3A_102 = vector.extract_strided_slice %dot_general3A_18 {offsets = [5, 640], sizes = [1, 128], strides = [1, 1]} : vector<8x1024xf32> to vector<1x128xf32>
    %add3A_103 = arith.addf %get3A_101, %slice3A_102 : vector<1x128xf32>
    %swap3A_104 = arith.constant 0 : index
    %swap3A_105 = arith.constant 0 : index
    %swap3A_106 = vector.load %arg8[%swap3A_104, %swap3A_105] : memref<1x128xf32, #tpu.memory_space<vmem>>, vector<1x128xf32>
    tpu.vector_store %arg8[%swap3A_104, %swap3A_105], %add3A_103 {strides = array<i32>} : memref<1x128xf32, #tpu.memory_space<vmem>>, vector<1x128xf32>,
    %get3A_107 = arith.constant 0 : index
    %get3A_108 = arith.constant 0 : index
    %get3A_109 = vector.load %arg9[%get3A_107, %get3A_108] : memref<1x128xf32, #tpu.memory_space<vmem>>, vector<1x128xf32>
    %slice3A_110 = vector.extract_strided_slice %dot_general3A_20 {offsets = [5, 640], sizes = [1, 128], strides = [1, 1]} : vector<8x1024xf32> to vector<1x128xf32>
    %add3A_111 = arith.addf %get3A_109, %slice3A_110 : vector<1x128xf32>
    %swap3A_112 = arith.constant 0 : index
    %swap3A_113 = arith.constant 0 : index
    %swap3A_114 = vector.load %arg9[%swap3A_112, %swap3A_113] : memref<1x128xf32, #tpu.memory_space<vmem>>, vector<1x128xf32>
    tpu.vector_store %arg9[%swap3A_112, %swap3A_113], %add3A_111 {strides = array<i32>} : memref<1x128xf32, #tpu.memory_space<vmem>>, vector<1x128xf32>,
    %get3A_115 = arith.constant 0 : index
    %get3A_116 = arith.constant 0 : index
    %get3A_117 = vector.load %arg8[%get3A_115, %get3A_116] : memref<1x128xf32, #tpu.memory_space<vmem>>, vector<1x128xf32>
    %slice3A_118 = vector.extract_strided_slice %dot_general3A_18 {offsets = [6, 768], sizes = [1, 128], strides = [1, 1]} : vector<8x1024xf32> to vector<1x128xf32>
    %add3A_119 = arith.addf %get3A_117, %slice3A_118 : vector<1x128xf32>
    %swap3A_120 = arith.constant 0 : index
    %swap3A_121 = arith.constant 0 : index
    %swap3A_122 = vector.load %arg8[%swap3A_120, %swap3A_121] : memref<1x128xf32, #tpu.memory_space<vmem>>, vector<1x128xf32>
    tpu.vector_store %arg8[%swap3A_120, %swap3A_121], %add3A_119 {strides = array<i32>} : memref<1x128xf32, #tpu.memory_space<vmem>>, vector<1x128xf32>,
    %get3A_123 = arith.constant 0 : index
    %get3A_124 = arith.constant 0 : index
    %get3A_125 = vector.load %arg9[%get3A_123, %get3A_124] : memref<1x128xf32, #tpu.memory_space<vmem>>, vector<1x128xf32>
    %slice3A_126 = vector.extract_strided_slice %dot_general3A_20 {offsets = [6, 768], sizes = [1, 128], strides = [1, 1]} : vector<8x1024xf32> to vector<1x128xf32>
    %add3A_127 = arith.addf %get3A_125, %slice3A_126 : vector<1x128xf32>
    %swap3A_128 = arith.constant 0 : index
    %swap3A_129 = arith.constant 0 : index
    %swap3A_130 = vector.load %arg9[%swap3A_128, %swap3A_129] : memref<1x128xf32, #tpu.memory_space<vmem>>, vector<1x128xf32>
    tpu.vector_store %arg9[%swap3A_128, %swap3A_129], %add3A_127 {strides = array<i32>} : memref<1x128xf32, #tpu.memory_space<vmem>>, vector<1x128xf32>,
    %get3A_131 = arith.constant 0 : index
    %get3A_132 = arith.constant 0 : index
    %get3A_133 = vector.load %arg8[%get3A_131, %get3A_132] : memref<1x128xf32, #tpu.memory_space<vmem>>, vector<1x128xf32>
    %slice3A_134 = vector.extract_strided_slice %dot_general3A_18 {offsets = [7, 896], sizes = [1, 128], strides = [1, 1]} : vector<8x1024xf32> to vector<1x128xf32>
    %add3A_135 = arith.addf %get3A_133, %slice3A_134 : vector<1x128xf32>
    %swap3A_136 = arith.constant 0 : index
    %swap3A_137 = arith.constant 0 : index
    %swap3A_138 = vector.load %arg8[%swap3A_136, %swap3A_137] : memref<1x128xf32, #tpu.memory_space<vmem>>, vector<1x128xf32>
    tpu.vector_store %arg8[%swap3A_136, %swap3A_137], %add3A_135 {strides = array<i32>} : memref<1x128xf32, #tpu.memory_space<vmem>>, vector<1x128xf32>,
    %get3A_139 = arith.constant 0 : index
    %get3A_140 = arith.constant 0 : index
    %get3A_141 = vector.load %arg9[%get3A_139, %get3A_140] : memref<1x128xf32, #tpu.memory_space<vmem>>, vector<1x128xf32>
    %slice3A_142 = vector.extract_strided_slice %dot_general3A_20 {offsets = [7, 896], sizes = [1, 128], strides = [1, 1]} : vector<8x1024xf32> to vector<1x128xf32>
    %add3A_143 = arith.addf %get3A_141, %slice3A_142 : vector<1x128xf32>
    %swap3A_144 = arith.constant 0 : index
    %swap3A_145 = arith.constant 0 : index
    %swap3A_146 = vector.load %arg9[%swap3A_144, %swap3A_145] : memref<1x128xf32, #tpu.memory_space<vmem>>, vector<1x128xf32>
    tpu.vector_store %arg9[%swap3A_144, %swap3A_145], %add3A_143 {strides = array<i32>} : memref<1x128xf32, #tpu.memory_space<vmem>>, vector<1x128xf32>,
    %eq3A_147 = arith.constant 9 : i32
    %eq3A_148 = arith.cmpi eq, %arg0, %eq3A_147 : i32
    %convert_element_type3A_149 = arith.extui %eq3A_148 : i1 to i32
    %cond3A_150 = arith.constant 0 : i32
    %cond3A_151 = arith.cmpi ne, %convert_element_type3A_149, %cond3A_150 : i32
    scf.if %cond3A_151 {
      %get3A_152 = arith.constant 0 : index
      %get3A_153 = arith.constant 0 : index
      %get3A_154 = vector.load %arg8[%get3A_152, %get3A_153] : memref<1x128xf32, #tpu.memory_space<vmem>>, vector<1x128xf32>
      %div3A = arith.constant 3.200000e+05 : f32
      %div3A_155 = vector.broadcast %div3A : f32 to vector<1x128xf32>
      %div3A_156 = arith.divf %get3A_154, %div3A_155 : vector<1x128xf32>
      %get3A_157 = arith.constant 0 : index
      %get3A_158 = arith.constant 0 : index
      %get3A_159 = vector.load %arg9[%get3A_157, %get3A_158] : memref<1x128xf32, #tpu.memory_space<vmem>>, vector<1x128xf32>
      %div3A_160 = arith.constant 3.200000e+05 : f32
      %div3A_161 = vector.broadcast %div3A_160 : f32 to vector<1x128xf32>
      %div3A_162 = arith.divf %get3A_159, %div3A_161 : vector<1x128xf32>
      %mul3A_163 = arith.mulf %div3A_156, %div3A_156 : vector<1x128xf32>
      %sub3A = arith.subf %div3A_162, %mul3A_163 : vector<1x128xf32>
      %get3A_164 = arith.constant 0 : index
      %get3A_165 = arith.constant 0 : index
      %get3A_166 = vector.load %arg4[%get3A_164, %get3A_165] : memref<1x128xf32, #tpu.memory_space<vmem>>, vector<1x128xf32>
      %add3A_167 = arith.constant 9.99999974E-6 : f32
      %add3A_168 = vector.broadcast %add3A_167 : f32 to vector<1x128xf32>
      %add3A_169 = arith.addf %sub3A, %add3A_168 : vector<1x128xf32>
      %rsqrt3A = math.rsqrt %add3A_169 : vector<1x128xf32>
      %mul3A_170 = arith.mulf %get3A_166, %rsqrt3A : vector<1x128xf32>
      %get3A_171 = arith.constant 0 : index
      %get3A_172 = arith.constant 0 : index
      %get3A_173 = vector.load %arg5[%get3A_171, %get3A_172] : memref<1x128xf32, #tpu.memory_space<vmem>>, vector<1x128xf32>
      %mul3A_174 = arith.mulf %div3A_156, %mul3A_170 : vector<1x128xf32>
      %sub3A_175 = arith.subf %get3A_173, %mul3A_174 : vector<1x128xf32>
      %swap3A_176 = arith.constant 0 : index
      %swap3A_177 = arith.constant 0 : index
      %swap3A_178 = vector.load %arg7[%swap3A_176, %swap3A_177] : memref<2x128xf32, #tpu.memory_space<vmem>>, vector<1x128xf32>
      tpu.vector_store %arg7[%swap3A_176, %swap3A_177], %mul3A_170 {strides = array<i32>} : memref<2x128xf32, #tpu.memory_space<vmem>>, vector<1x128xf32>,
      %swap3A_179 = arith.constant 1 : index
      %swap3A_180 = arith.constant 0 : index
      %swap3A_181 = vector.load %arg7[%swap3A_179, %swap3A_180] : memref<2x128xf32, #tpu.memory_space<vmem>>, vector<1x128xf32>
      tpu.vector_store %arg7[%swap3A_179, %swap3A_180], %sub3A_175 {strides = array<i32>} : memref<2x128xf32, #tpu.memory_space<vmem>>, vector<1x128xf32>,
    } else {
    }
    return
  }
  func.func @transform_0(%arg0: i32) -> (i32, i32) {
    %c0_i32 = arith.constant 0 : i32
    %c0_i32_0 = arith.constant 0 : i32
    return %arg0, %c0_i32 : i32, i32
  }
  func.func @transform_1(%arg0: i32) -> (i32, i32) {
    %c0_i32 = arith.constant 0 : i32
    %c0_i32_0 = arith.constant 0 : i32
    %c0_i32_1 = arith.constant 0 : i32
    return %c0_i32, %c0_i32_0 : i32, i32
  }
  func.func @transform_2(%arg0: i32) -> (i32, i32, i32) {
    %c0_i32 = arith.constant 0 : i32
    %c0_i32_0 = arith.constant 0 : i32
    %c0_i32_1 = arith.constant 0 : i32
    return %c0_i32, %c0_i32_0, %arg0 : i32, i32, i32
  }
  func.func @transform_3(%arg0: i32) -> (i32, i32) {
    %c0_i32 = arith.constant 0 : i32
    %c0_i32_0 = arith.constant 0 : i32
    %c0_i32_1 = arith.constant 0 : i32
    return %c0_i32, %c0_i32_0 : i32, i32
  }
  func.func @transform_4(%arg0: i32) -> (i32, i32) {
    %c0_i32 = arith.constant 0 : i32
    %c0_i32_0 = arith.constant 0 : i32
    %c0_i32_1 = arith.constant 0 : i32
    return %c0_i32, %c0_i32_0 : i32, i32
  }
  func.func @transform_5(%arg0: i32) -> (i32, i32) {
    %c0_i32 = arith.constant 0 : i32
    %c0_i32_0 = arith.constant 0 : i32
    return %arg0, %c0_i32 : i32, i32
  }
  func.func @transform_6(%arg0: i32) -> (i32, i32) {
    %c0_i32 = arith.constant 0 : i32
    %c0_i32_0 = arith.constant 0 : i32
    %c0_i32_1 = arith.constant 0 : i32
    return %c0_i32, %c0_i32_0 : i32, i32
  }
}

module attributes {stable_mosaic.version = 14 : i64} {
  func.func @_c2_body(%arg0: i32, %arg1: memref<2x1000x128xf32, #tpu.memory_space<vmem>>, %arg2: memref<1000x1xf32, #tpu.memory_space<vmem>>, %arg3: memref<2x128xf32, #tpu.memory_space<vmem>>, %arg4: memref<1000x128xf32, #tpu.memory_space<vmem>>) attributes {dimension_semantics = [#tpu.dimension_semantics<arbitrary>], iteration_bounds = array<i64: 10>, scalar_prefetch = 0 : i64, scratch_operands = 0 : i64, tpu.core_type = #tpu.core_type<tc>, window_params = [{transform_indices = @transform_0, window_bounds = array<i64: 2, 1000, 128>}, {transform_indices = @transform_1, window_bounds = array<i64: 1000, 1>}, {pipeline_mode = #tpu.pipeline_mode<synchronous>, transform_indices = @transform_2, window_bounds = array<i64: 2, 128>}, {transform_indices = @transform_3, window_bounds = array<i64: 1000, 128>}]} {
    %get3A = arith.constant 0 : index
    %get3A_0 = arith.constant 0 : index
    %get3A_1 = arith.constant 0 : index
    %get3A_2 = vector.load %arg1[%get3A, %get3A_0, %get3A_1] : memref<2x1000x128xf32, #tpu.memory_space<vmem>>, vector<1x1000x128xf32>
    %get3A_3 = vector.shape_cast %get3A_2 : vector<1x1000x128xf32> to vector<1000x128xf32>
    %get3A_4 = arith.constant 1 : index
    %get3A_5 = arith.constant 0 : index
    %get3A_6 = arith.constant 0 : index
    %get3A_7 = vector.load %arg1[%get3A_4, %get3A_5, %get3A_6] : memref<2x1000x128xf32, #tpu.memory_space<vmem>>, vector<1x1000x128xf32>
    %get3A_8 = vector.shape_cast %get3A_7 : vector<1x1000x128xf32> to vector<1000x128xf32>
    %add3A = arith.addf %get3A_3, %get3A_8 : vector<1000x128xf32>
    %get3A_9 = arith.constant 0 : index
    %get3A_10 = arith.constant 0 : index
    %get3A_11 = vector.load %arg2[%get3A_9, %get3A_10] : memref<1000x1xf32, #tpu.memory_space<vmem>>, vector<1000x1xf32>
    %get3A_12 = arith.constant 0 : index
    %get3A_13 = arith.constant 0 : index
    %get3A_14 = vector.load %arg3[%get3A_12, %get3A_13] : memref<2x128xf32, #tpu.memory_space<vmem>>, vector<1x128xf32>
    %get3A_15 = arith.constant 1 : index
    %get3A_16 = arith.constant 0 : index
    %get3A_17 = vector.load %arg3[%get3A_15, %get3A_16] : memref<2x128xf32, #tpu.memory_space<vmem>>, vector<1x128xf32>
    %gt3A = arith.constant 0.000000e+00 : f32
    %gt3A_18 = vector.broadcast %gt3A : f32 to vector<1000x1xf32>
    %gt3A_19 = arith.cmpf ogt, %get3A_11, %gt3A_18 : vector<1000x1xf32>
    %jit3A = arith.constant 1.000000e+00 : f32
    %broadcast_in_dim3A = vector.broadcast %jit3A : f32 to vector<1000x1xf32>
    %select_n3A = arith.select %gt3A_19, %get3A_11, %broadcast_in_dim3A : vector<1000x1xi1>, vector<1000x1xf32>
    %gt3A_20 = arith.constant 0.000000e+00 : f32
    %gt3A_21 = vector.broadcast %gt3A_20 : f32 to vector<1000x1xf32>
    %gt3A_22 = arith.cmpf ogt, %get3A_11, %gt3A_21 : vector<1000x1xf32>
    %div3A = vector.broadcast %select_n3A : vector<1000x1xf32> to vector<1000x128xf32>
    %div3A_23 = arith.divf %add3A, %div3A : vector<1000x128xf32>
    %mul3A = vector.broadcast %get3A_14 : vector<1x128xf32> to vector<1000x128xf32>
    %mul3A_24 = arith.mulf %div3A_23, %mul3A : vector<1000x128xf32>
    %add3A_25 = vector.broadcast %get3A_17 : vector<1x128xf32> to vector<1000x128xf32>
    %add3A_26 = arith.addf %mul3A_24, %add3A_25 : vector<1000x128xf32>
    %jit3A_27 = arith.constant 0.000000e+00 : f32
    %broadcast_in_dim3A_28 = vector.shape_cast %gt3A_22 : vector<1000x1xi1> to vector<1000x1xi1>
    %broadcast_in_dim3A_29 = vector.broadcast %broadcast_in_dim3A_28 : vector<1000x1xi1> to vector<1000x128xi1>
    %broadcast_in_dim3A_30 = vector.broadcast %jit3A_27 : f32 to vector<1000x128xf32>
    %select_n3A_31 = arith.select %broadcast_in_dim3A_29, %add3A_26, %broadcast_in_dim3A_30 : vector<1000x128xi1>, vector<1000x128xf32>
    %swap3A = arith.constant 0 : index
    %swap3A_32 = arith.constant 0 : index
    %swap3A_33 = vector.load %arg4[%swap3A, %swap3A_32] : memref<1000x128xf32, #tpu.memory_space<vmem>>, vector<1000x128xf32>
    tpu.vector_store %arg4[%swap3A, %swap3A_32], %select_n3A_31 {strides = array<i32>} : memref<1000x128xf32, #tpu.memory_space<vmem>>, vector<1000x128xf32>,
    return
  }
  func.func @transform_0(%arg0: i32) -> (i32, i32, i32) {
    %c0_i32 = arith.constant 0 : i32
    %c0_i32_0 = arith.constant 0 : i32
    %c0_i32_1 = arith.constant 0 : i32
    return %c0_i32, %arg0, %c0_i32_0 : i32, i32, i32
  }
  func.func @transform_1(%arg0: i32) -> (i32, i32) {
    %c0_i32 = arith.constant 0 : i32
    %c0_i32_0 = arith.constant 0 : i32
    return %arg0, %c0_i32 : i32, i32
  }
  func.func @transform_2(%arg0: i32) -> (i32, i32) {
    %c0_i32 = arith.constant 0 : i32
    %c0_i32_0 = arith.constant 0 : i32
    %c0_i32_1 = arith.constant 0 : i32
    return %c0_i32, %c0_i32_0 : i32, i32
  }
  func.func @transform_3(%arg0: i32) -> (i32, i32) {
    %c0_i32 = arith.constant 0 : i32
    %c0_i32_0 = arith.constant 0 : i32
    return %arg0, %c0_i32 : i32, i32
  }
}

</mosaic_0001>

<sc_bundles>
// kernel: kernel.6.cloned.1.call-start
scs
__scs_entry_jumppad:
0x0: {  	(pc) =	sbr.rel $0x88, $3  }
0x1: {  	(tag) =	ssettag $0x0;
	lr =	simm.s32 $0x1  }
0x2: {  	[smem:$0x3F9B] =	sst lr;
	_ =	strace $0xD0000000  }
0x3: {  	_ = 	snop  }
0x4: {  	_ = 	snop  }
0x5: {  	_ = 	snop  }
0x6: {  	_ = 	snop  }
0x7: {  	_ = 	snop  }
__scs_overlays_trampoline_lowered:
0x8: {  	[smem:$0x3FAA] =	sst s0  }
0x9: {  	[smem:$0x3FAB] =	sst s1  }
0xa: {  	[smem:$0x3FAC] =	sst s2  }
0xb: {  	[smem:$0x3FAD] =	sst s3  }
0xc: {  	[smem:$0x3FAE] =	sst s4  }
0xd: {  	[smem:$0x3FAF] =	sst s5  }
0xe: {  	[smem:$0x3FB0] =	sst s6  }
0xf: {  	[smem:$0x3FB1] =	sst s7  }
0x10: {  	[smem:$0x3FB2] =	sst s8  }
0x11: {  	[smem:$0x3FB3] =	sst s9;
	s0 =	simm.s32 @!p0 $0x0  }
0x12: {  	s1 =	sld [smem:$0x3F99];
	s0 =	simm.s32 @p0 $0x1  }
0x13: {  	[smem:$0x3FB4] =	sst s0;
	s0 =	simm.s32 @!p1 $0x0  }
0x14: {  	s2 =	sld [smem:$0x3F98];
	s0 =	simm.s32 @p1 $0x1  }
0x15: {  	[smem:$0x3FB5] =	sst s0;
	s0 =	simm.s32 @!p2 $0x0  }
0x16: {  	s3 =	sld [smem:$0x3FDB];
	s0 =	simm.s32 @p2 $0x1  }
0x17: {  	s4 =	simm.s32 $0x1BF5;
	[smem:$0x3FB7] =	sst s0  }
0x18: {  	s0 =	sld [smem:$0x3F9A];
	_ =	swait.ge [sflag:s4], $0x0  }
0x19: {  	s7 =	sld [smem:$0x3F9B]  }
0x1a: {  	s8 =	sadd.s32 $0xFFFFE003, lr  }
0x1b: {  	s9 =	sadd.s32 $0xFFFFFEF7, lr;
	s5 =	simm.s32 $0xFFFFFFFF;
	p2 =	slt.u32 s8, $0xFFFFF086  }
0x1c: {  	p1 =	slt.u32 s9, $0xF7A;
	s5 =	simm.s32 @!p2 $0x0  }
0x1d: {  	s5 =	simm.s32 @p1 $0x1;
	p0 =	seq.s32 s7, s2  }
0x1e: {  	s7 =	smul.u32 @!p0 $0xF7A, s2;
	p2 =	seq.s32 @!p0 s5, $0x0  }
0x1f: {  	s9 =	smul.u32 $0xF7A, s1;
	s8 =	simm.s32 @!p0 $0x1BF5;
	p2 =	por !p2, p0  }
0x20: {  	[sflag:s8] =	ssyncset.s32 @!p0 $0xFFFFF086;
	s6 =	sadd.s32 @!p0 s3, s7;
	s7 =	simm.s32 @!p0 $0x108  }
0x21: {  	s3 =	sadd.s32 s3, s9;
	s6 =	sadd.s32 @!p0 $0x88, s6;
	s7 =	simm.s32 @p2 $0x1082  }
0x22: {  	[simem:s7], [sflag:s8] =	dma.local @!p0 [hbm:s6], $0xF7A  }
0x23: {  	s9 =	sor.u32 $0xD0000000, s2;
	s6 =	simm.s32 $0x108;
	_ =	swait.ge @!p0 [sflag:s8], $0x0  }
0x24: {  	s3 =	sadd.s32 $0x88, s3;
	s6 =	simm.s32 @!p1 $0x1082;
	[sflag:s4] =	ssyncset.s32 $0xFFFFF086  }
0x25: {  	[simem:s6], [sflag:s4] =	dma.local [hbm:s3], $0xF7A  }
0x26: {  	[smem:$0x3F9B] =	sst s1;
	(tag) =	ssettag s2;
	_ =	strace s9  }
0x27: {  	s1 =	sld [smem:$0x3FAB]  }
0x28: {  	s2 =	sld [smem:$0x3FAC]  }
0x29: {  	s4 =	sld [smem:$0x3FAE]  }
0x2a: {  	p0 =	seq.s32 s5, $0x0;
	s5 =	sld [smem:$0x3FAF]  }
0x2b: {  	s6 =	sld [smem:$0x3FB0]  }
0x2c: {  	s7 =	sld [smem:$0x3FB1]  }
0x2d: {  	s3 =	simm.s32 $0x108;
	s8 =	sld [smem:$0x3FB2]  }
0x2e: {  	s3 =	simm.s32 @!p0 $0x1082;
	s9 =	sld [smem:$0x3FB3]  }
0x2f: {  	lr =	sadd.s32 s0, s3;
	s0 =	sld [smem:$0x3FAA]  }
0x30: {  	s3 =	sld [smem:$0x3FAD]  }
0x31: {  	[smem:$0x3FB6] =	sst s10  }
0x32: {  	s10 =	sld [smem:$0x3FB4];
	_ =	sdelay $0x3  }
0x33: {  	p0 =	seq.s32 s10, $0x1;
	s10 =	sld [smem:$0x3FB6];
	_ =	sdelay $0x3  }
0x34: {  	[smem:$0x3FB6] =	sst s10  }
0x35: {  	s10 =	sld [smem:$0x3FB5];
	_ =	sdelay $0x3  }
0x36: {  	p1 =	seq.s32 s10, $0x1;
	s10 =	sld [smem:$0x3FB6];
	_ =	sdelay $0x3  }
0x37: {  	[smem:$0x3FB6] =	sst s10  }
0x38: {  	s10 =	sld [smem:$0x3FB7]  }
0x39: {  	_ = 	snop;
	(pc) =	sbr.ind lr, $3  }
0x3a: {  	_ = 	snop  }
0x3b: {  	_ = 	snop  }
0x3c: {  	p2 =	seq.s32 s10, $0x1;
	s10 =	sld [smem:$0x3FB6]  }
0x3d: {  	_ =	shalt  }
0x3e: {  	_ =	shalt  }
0x3f: {  	_ =	shalt  }
0x40: {  	_ =	shalt  }
0x41: {  	_ =	shalt  }
0x42: {  	_ =	shalt  }
0x43: {  	_ =	shalt  }
0x44: {  	_ =	shalt  }
0x45: {  	_ =	shalt  }
0x46: {  	_ =	shalt  }
0x47: {  	_ =	shalt  }
0x48: {  	_ =	shalt  }
0x49: {  	_ =	shalt  }
0x4a: {  	_ =	shalt  }
0x4b: {  	_ =	shalt  }
0x4c: {  	_ =	shalt  }
0x4d: {  	_ =	shalt  }
0x4e: {  	_ =	shalt  }
0x4f: {  	_ =	shalt  }
0x50: {  	_ =	shalt  }
0x51: {  	_ =	shalt  }
0x52: {  	_ =	shalt  }
0x53: {  	_ =	shalt  }
0x54: {  	_ =	shalt  }
0x55: {  	_ =	shalt  }
0x56: {  	_ =	shalt  }
0x57: {  	_ =	shalt  }
0x58: {  	_ =	shalt  }
0x59: {  	_ =	shalt  }
0x5a: {  	_ =	shalt  }
0x5b: {  	_ =	shalt  }
0x5c: {  	_ =	shalt  }
0x5d: {  	_ =	shalt  }
0x5e: {  	_ =	shalt  }
0x5f: {  	_ =	shalt  }
0x60: {  	_ =	shalt  }
0x61: {  	_ =	shalt  }
0x62: {  	_ =	shalt  }
0x63: {  	_ =	shalt  }
0x64: {  	_ =	shalt  }
0x65: {  	_ =	shalt  }
0x66: {  	_ =	shalt  }
0x67: {  	_ =	shalt  }
0x68: {  	_ =	shalt  }
0x69: {  	_ =	shalt  }
0x6a: {  	_ =	shalt  }
0x6b: {  	_ =	shalt  }
0x6c: {  	_ =	shalt  }
0x6d: {  	_ =	shalt  }
0x6e: {  	_ =	shalt  }
0x6f: {  	_ =	shalt  }
0x70: {  	_ =	shalt  }
0x71: {  	_ =	shalt  }
0x72: {  	_ =	shalt  }
0x73: {  	_ =	shalt  }
0x74: {  	_ =	shalt  }
0x75: {  	_ =	shalt  }
0x76: {  	_ =	shalt  }
0x77: {  	_ =	shalt  }
0x78: {  	_ =	shalt  }
0x79: {  	_ =	shalt  }
0x7a: {  	_ =	shalt  }
0x7b: {  	_ =	shalt  }
0x7c: {  	_ =	shalt  }
0x7d: {  	_ =	shalt  }
0x7e: {  	_ =	shalt  }
0x7f: {  	_ =	shalt  }
0x80: {  	_ =	shalt  }
0x81: {  	_ =	shalt  }
0x82: {  	_ =	shalt  }
0x83: {  	_ =	shalt  }
0x84: {  	_ =	shalt  }
0x85: {  	_ =	shalt  }
0x86: {  	_ =	shalt  }
0x87: {  	_ =	shalt  }
.Lfunc_end0:
.L_simem_size_0:
called_computation_lowered:
.L_overlay_start_0:
0x88: {  	s2 =	sld [smem:$0x3FD9]  }
0x89: {  	s3 =	sld [smem:$0x3FFE];
	_ =	sdelay $0x1  }
0x8a: {  	s1 =	srdreg.scid  }
0x8b: {  	s0 =	sand.u32 $0x1, s1  }
0x8c: {  	s16 =	sshll.u32 s0, $0xA;
	s2 =	sadd.s32 s3, s2  }
0x8d: {  	s2 =	sadd.s32 s2, s16  }
0x8e: {  	[smem:$0x3FC2] =	sst s2  }
0x8f: {  	_ = 	snop  }
0x90: {  	(tm) =	ssettm $0x1  }
0x91: {  	s17 =	sld [smem:$0x3FFB];
	_ =	sdelay $0x3  }
0x92: {  	_ =	strace s17  }
0x93: {  	s2 =	sld [smem:$0x3FFC];
	_ =	sdelay $0x3  }
0x94: {  	_ =	strace s2  }
0x95: {  	s2 =	sld [smem:$0x3FFD];
	_ =	sdelay $0x3  }
0x96: {  	_ =	strace s2  }
0x97: {  	_ =	strace $0x8FFFFFFF  }
0x98: {  	s18 =	sld [smem:$0x3FDB];
	_ =	sdelay $0x1  }
0x99: {  	s19 =	simm.s32 $_scs_section_size  }
0x9a: {  	s4 =	simm.s32 $_size__tile_overlayer_lowered;
	s5 =	simm.s32 $_tile_overlayer_lowered  }
0x9b: {  	s22 =	simm.s32 $0x1BFF;
	s21 =	sshll.u32 s5, $0x1;
	s2 =	sadd.s32 s19, s18  }
0x9c: {  	s6 =	simm.s32 $0x0;
	s20 =	sshll.u32 s4, $0x1;
	s4 =	sadd.s32 s21, s2  }
0x9d: {  	[timem:s6], [sflag:s22] =	dma.local [hbm:s4], s20  }
0x9e: {  	_ =	swait.ge [sflag:s22], s20  }
0x9f: {  	s3 =	ssub.s32 $0x0, s20;
	[sflag:s22] =	ssyncset.done $0x0  }
0xa0: {  	[sflag:s22] =	ssyncadd.s32 s3;
	_ =	sdelay $0x1  }
0xa1: {  	s23 =	simm.s32 $0x1B8B  }
0xa2: {  	_ =	swait.ge [sflag:s23], $0x1  }
0xa3: {  	[sflag:s23] =	ssyncset.done $0x0  }
0xa4: {  	s25 =	simm.s32 $0x1B8E;
	s24 =	sld [smem:$0x3FFE];
	[sflag:s23] =	ssyncadd.s32 $0xFFFFFFFF  }
0xa5: {  	s26 =	simm.s32 $execute0_lowered;
	[smem:$0x3FD2] =	sst s25  }
0xa6: {  	s4 =	sshll.u32 s26, $0x1;
	_ =	strace $0x80000046;
	[dreg:$0x1] =	wrdreg $0xFFFFFFFF  }
0xa7: {  	s28 =	simm.s32 $_size_execute0_lowered;
	s2 =	sadd.s32 s2, s4;
	[dreg:$0x0] =	wrdreg $0x0  }
0xa8: {  	s4 =	sshll.u32 s28, $0x1;
	[dreg:$0x2] =	wrdreg s2  }
0xa9: {  	[dreg:$0x3] =	wrdreg s4  }
0xaa: {  	[dreg:$0x4] =	wrdreg $0xC0  }
0xab: {  	_ =	task [dreg:s6], $0x5FFFF  }
0xac: {  	[dreg:$0x1] =	wrdreg $0xFFFFFFFF  }
0xad: {  	[dreg:$0x0] =	wrdreg $0x60  }
0xae: {  	[dreg:$0x2] =	wrdreg s24  }
0xaf: {  	[dreg:$0x3] =	wrdreg $0x9  }
0xb0: {  	_ =	task.clear_ibuf [dreg:s6], $0x4FFFF;
	_ =	strace $0x90000046  }
0xb1: {  	s29 =	simm.s32 $0x9;
	_ =	strace $0x80000048  }
0xb2: {  	_ =	swait.ge [sflag:s29], $0x1  }
0xb3: {  	[sflag:s29] =	ssyncadd.s32 $0xFFFFFFFF  }
0xb4: {  	_ =	strace $0x90000048  }
0xb5: {  	_ =	sfence  }
0xb6: {  	s30 =	sld [smem:$0x0];
	_ =	sdelay $0x2  }
0xb7: {  	s31 =	sshll.u32 s1, $0xD;
	s1 =	sshrl.u32 s1, $0x2  }
0xb8: {  	s3 =	sand.u32 $0x4000, s31;
	s1 =	sadd.s32 s1, s30  }
0xb9: {  	s0 =	sor.u32 s3, s0;
	s1 =	sshll.u32 s1, $0x11  }
0xba: {  	s0 =	sor.u32 s1, s0  }
0xbb: {  	s0 =	sadd.s32 $0x8F2B, s0  }
0xbc: {  	[sflag:s0] =	ssyncadd.remote.s32 $0x1  }
0xbd: {  	_ =	sfence.sel $0xFFFF  }
0xbe: {  	[dreg:$0x0] =	wrdreg $0xFFFFFFFF;
	(pc) =	sbr.abs _section_cstart, $3  }
0xbf: {  	[dreg:$0x1] =	wrdreg $0xFFFFFFFF  }
0xc0: {  	_ =	task.clear_ibuf [dreg:s6], $0x2FFFF;
	_ =	strace $0x9FFFFFFF  }
0xc1: {  	(tm) =	ssettm $0x7FFFFFFF  }
tec
execute0_lowered:
.L_overlay_start_1:
0x0: {  	(tag) =	ssettag $0x1  }
0x1: {  	s0 =	srdreg.scid  }
0x2: {  	s3 =	sand.u32 $0x1, s0  }
0x3: {  	s4 =	rddreg [dreg:$0x0];
	s0 =	stileid.u32;
	s1 =	sshll.u32 s3, $0x4  }
0x4: {  	s2 =	simm.s32 $0x0;
	s10 =	simm.s32 $0x18F80;
	s5 =	sor.u32 s0, s1  }
0x5: {  	s11 =	simm.s32 $0x14000;
	s12 =	simm.s32 $0x0;
	s6 =	smul.u32 $0x4E2, s5  }
0x6: {  	[smem:$0x7FF] =	sst s2;
	s3 =	ssub.s32 $0x2, s3;
	s7 =	smul.u32 $0x2800, s5  }
0x7: {  	s1 =	rddreg [dreg:$0x1];
	s8 =	sshrl.u32 s3, $0x1;
	s5 =	smul.u32 $0x500, s5  }
0x8: {  	_ =	strace $0x80000047;
	s8 =	ssub.s32 s3, s8;
	s6 =	sadd.s32 s6, s4  }
0x9: {  	s7 =	sadd.s32 s7, s4;
	s9 =	sadd.s32 s5, s4;
	s3 =	sadd.s32 $0xB800, s6  }
0xa: {  	s4 =	sadd.s32 $0x1A00, s6;
	s5 =	sadd.s32 $0x1F400, s7;
	s6 =	sadd.s32 $0x6F400, s9  }
0xb: {  	v0 =	vimm.f32 $0.0e+00;
	v1 =	vimm.f32 $1.000000000e+00;
	s7 =	smax.u32 s8, $0x1;
	s8 =	simm.s32 $0x16800;
	s9 =	simm.s32 $0x1  }
.LBB2_1:
0xc: {  	s13 =	simm.s32 $0x0;
	s14 =	simm.s32 $0x200  }
.LBB2_2:
0xd: {  	p0 =	sne.s32 s14, $0x4FE00;
	[tilespmem:s13+$0x70] =	vst v0  }
0xe: {  	[tilespmem:s13+$0x0] =	vst v0  }
0xf: {  	[tilespmem:s13+$0x10] =	vst v0  }
.Ltmp0:
0x10: {  	[tilespmem:s13+$0x20] =	vst v0;
	(pc) =	sbr.rel @p0 .LBB2_2-.Ltmp0, $4  }
0x11: {  	[tilespmem:s13+$0x30] =	vst v0  }
0x12: {  	[tilespmem:s13+$0x40] =	vst v0  }
0x13: {  	[tilespmem:s13+$0x50] =	vst v0  }
0x14: {  	[tilespmem:s13+$0x60] =	vst v0;
	s13 =	sshra.s32 s14, $0x2;
	s14 =	sadd.s32 $0x200, s14  }
0x15: {  	[tilespmem:s13+$0x70] =	vst v0  }
0x16: {  	[tilespmem:s13+$0x0] =	vst v0  }
0x17: {  	[tilespmem:s13+$0x10] =	vst v0  }
0x18: {  	[tilespmem:s13+$0x20] =	vst v0  }
0x19: {  	[tilespmem:s13+$0x30] =	vst v0  }
0x1a: {  	[tilespmem:s13+$0x40] =	vst v0  }
0x1b: {  	[tilespmem:s13+$0x50] =	vst v0  }
0x1c: {  	[tilespmem:s13+$0x60] =	vst v0;
	s13 =	simm.s32 $0x0;
	s14 =	simm.s32 $0x200  }
.LBB2_4:
0x1d: {  	p0 =	sne.s32 s14, $0x9E00;
	[tilespmem:s13+$0x14070] =	vst v0  }
0x1e: {  	[tilespmem:s13+$0x14000] =	vst v0  }
0x1f: {  	[tilespmem:s13+$0x14010] =	vst v0  }
.Ltmp1:
0x20: {  	[tilespmem:s13+$0x14020] =	vst v0;
	(pc) =	sbr.rel @p0 .LBB2_4-.Ltmp1, $4  }
0x21: {  	[tilespmem:s13+$0x14030] =	vst v0  }
0x22: {  	[tilespmem:s13+$0x14040] =	vst v0  }
0x23: {  	[tilespmem:s13+$0x14050] =	vst v0  }
0x24: {  	[tilespmem:s13+$0x14060] =	vst v0;
	s13 =	sshra.s32 s14, $0x2;
	s14 =	sadd.s32 $0x200, s14  }
0x25: {  	[tilespmem:s13+$0x14070] =	vst v0  }
0x26: {  	[tilespmem:s13+$0x14000] =	vst v0  }
0x27: {  	[tilespmem:s13+$0x14010] =	vst v0  }
0x28: {  	[tilespmem:s13+$0x14020] =	vst v0  }
0x29: {  	[tilespmem:s13+$0x14030] =	vst v0  }
0x2a: {  	[tilespmem:s13+$0x14040] =	vst v0  }
0x2b: {  	[tilespmem:s13+$0x14050] =	vst v0  }
0x2c: {  	[tilespmem:s13+$0x14060] =	vst v0;
	s31 =	simm.s32 $0x0  }
0x2d: {  	[tilespmem:s8], [sflag:$0x1] =	stream.linear.gather [hbm4b:s3+s31], $0x2710, $0x38;
	[tilespmem:$0x1B700] =	vst v63  }
0x2e: {  	_ =	swait.ge [sflag:s9], $0x2710  }
0x2f: {  	[sflag:s9] =	ssyncset.done $0x0  }
0x30: {  	[sflag:s9] =	ssyncadd.s32 $0xFFFFD8F0  }
0x31: {  	[tilespmem:s10], [sflag:$0x1] =	stream.linear.gather [hbm4b:s4+s31], $0x2710, $0x38;
	[tilespmem:$0x1B700] =	vst v63  }
0x32: {  	_ =	swait.ge [sflag:s9], $0x2710  }
0x33: {  	[sflag:s9] =	ssyncset.done $0x0  }
0x34: {  	s14 =	simm.s32 $0x0;
	s13 =	simm.s32 $0x40;
	[sflag:s9] =	ssyncadd.s32 $0xFFFFD8F0  }
.LBB2_6:
0x35: {  	p0 =	sne.s32 s13, $0x9C00;
	v2 =	vld [tilespmem:s14+$0x16800];
	_ =	sdelay $0x7  }
0x36: {  	[tilespmem:v2+s2+$0x0] =	vst.idx.add.f32.msk $0xffff, v1  }
0x37: {  	v2 =	vld [tilespmem:s14+$0x18F80];
	_ =	sdelay $0x3  }
.Ltmp2:
0x38: {  	(pc) =	sbr.rel @p0 .LBB2_6-.Ltmp2, $2  }
0x39: {  	_ =	sdelay $0x2  }
0x3a: {  	s14 =	sshra.s32 s13, $0x2;
	s13 =	sadd.s32 $0x40, s13;
	[tilespmem:v2+s11+$0x0] =	vst.idx.add.f32.msk $0xffff, v1  }
0x3b: {  	v2 =	vld [tilespmem:s14+$0x16800];
	_ =	sdelay $0x7  }
0x3c: {  	[tilespmem:v2+s2+$0x0] =	vst.idx.add.f32.msk $0xffff, v1  }
0x3d: {  	v2 =	vld [tilespmem:s14+$0x18F80];
	_ =	sdelay $0x7  }
0x3e: {  	[tilespmem:v2+s11+$0x0] =	vst.idx.add.f32.msk $0xffff, v1  }
0x3f: {  	[hbm4b:s5+s2] =	stream.linear.scatter [tilespmem:s2], [sflag:$0x1], $0x14000, $0x38;
	[tilespmem:$0x1B700] =	vst v63  }
0x40: {  	s12 =	sadd.s32 $0x1, s12;
	_ =	swait.ge [sflag:s9], $0x14000  }
0x41: {  	p0 =	sne.s32 s12, s7;
	[sflag:s9] =	ssyncset.done $0x0  }
.Ltmp3:
0x42: {  	[sflag:s9] =	ssyncadd.s32 $0xFFFEC000;
	(pc) =	sbr.rel @p0 .LBB2_1-.Ltmp3, $4  }
0x43: {  	[hbm4b:s6+s2] =	stream.linear.scatter [tilespmem:s11], [sflag:$0x1], $0x2800, $0x38;
	[tilespmem:$0x1B700] =	vst v63  }
0x44: {  	_ =	swait.ge [sflag:s9], $0x2800  }
0x45: {  	[sflag:s9] =	ssyncset.done $0x0  }
0x46: {  	[sflag:s9] =	ssyncadd.s32 $0xFFFFD800  }
0x47: {  	_ =	sfence.sel $0x180000  }
0x48: {  	[bflag:$0x0] =	sbarrier.arrive $0xFFFF  }
0x49: {  	p0 =	sne.s32 s0, $0x0;
	_ =	strace $0x90000047  }
0x4a: {  	s0 =	sadd.s32 @!p0 $0x100000, s1;
	[bflag:$0x2] =	sbarrier.arrive $0xFFFF  }
0x4b: {  	[sflag:s0] =	ssyncadd.tile.s32 @!p0 $0x1;
	_ =	shalt  }
.Lfunc_end2:
_tile_overlayer_lowered:
.L_overlay_start_2:
0x4c: {  	(tag) =	ssettag $0x2  }
0x4d: {  	s0 =	rddreg [dreg:$0x0];
	s2 =	stileid.u32  }
0x4e: {  	s1 =	rddreg [dreg:$0x1];
	p0 =	sne.s32 s2, $0x0  }
0x4f: {  	s3 =	rddreg [dreg:$0x2];
	[bflag:$0x3] =	sbarrier.arrive $0xFFFF;
	s2 =	simm.s32 @!p0 $0x1C01  }
0x50: {  	[timem:s3], [sflag:s2] =	dma.local @!p0 [hbm:s0], s1  }
0x51: {  	s0 =	simm.s32 @!p0 $0x1  }
0x52: {  	_ =	swait.ge @!p0 [sflag:s0], s1  }
0x53: {  	s1 =	ssub.s32 @!p0 $0x0, s1;
	[sflag:s0] =	ssyncset.done @!p0 $0x0  }
0x54: {  	[sflag:s0] =	ssyncadd.s32 @!p0 s1  }
0x55: {  	[bflag:$0x3] =	sbarrier.arrive $0xFFFF  }
0x56: {  	_ =	shalt  }

// kernel: kernel.9.cloned.1.call-start
scs
__scs_entry_jumppad:
0x0: {  	(pc) =	sbr.rel $0x88, $3  }
0x1: {  	(tag) =	ssettag $0x0;
	lr =	simm.s32 $0x1  }
0x2: {  	[smem:$0x3F9B] =	sst lr;
	_ =	strace $0xD0000000  }
0x3: {  	_ = 	snop  }
0x4: {  	_ = 	snop  }
0x5: {  	_ = 	snop  }
0x6: {  	_ = 	snop  }
0x7: {  	_ = 	snop  }
__scs_overlays_trampoline_lowered:
0x8: {  	[smem:$0x3FAA] =	sst s0  }
0x9: {  	[smem:$0x3FAB] =	sst s1  }
0xa: {  	[smem:$0x3FAC] =	sst s2  }
0xb: {  	[smem:$0x3FAD] =	sst s3  }
0xc: {  	[smem:$0x3FAE] =	sst s4  }
0xd: {  	[smem:$0x3FAF] =	sst s5  }
0xe: {  	[smem:$0x3FB0] =	sst s6  }
0xf: {  	[smem:$0x3FB1] =	sst s7  }
0x10: {  	[smem:$0x3FB2] =	sst s8  }
0x11: {  	[smem:$0x3FB3] =	sst s9;
	s0 =	simm.s32 @!p0 $0x0  }
0x12: {  	s1 =	sld [smem:$0x3F99];
	s0 =	simm.s32 @p0 $0x1  }
0x13: {  	[smem:$0x3FB4] =	sst s0;
	s0 =	simm.s32 @!p1 $0x0  }
0x14: {  	s2 =	sld [smem:$0x3F98];
	s0 =	simm.s32 @p1 $0x1  }
0x15: {  	[smem:$0x3FB5] =	sst s0;
	s0 =	simm.s32 @!p2 $0x0  }
0x16: {  	s3 =	sld [smem:$0x3FDB];
	s0 =	simm.s32 @p2 $0x1  }
0x17: {  	s4 =	simm.s32 $0x1BF5;
	[smem:$0x3FB7] =	sst s0  }
0x18: {  	s0 =	sld [smem:$0x3F9A];
	_ =	swait.ge [sflag:s4], $0x0  }
0x19: {  	s7 =	sld [smem:$0x3F9B]  }
0x1a: {  	s8 =	sadd.s32 $0xFFFFE003, lr  }
0x1b: {  	s9 =	sadd.s32 $0xFFFFFEF7, lr;
	s5 =	simm.s32 $0xFFFFFFFF;
	p2 =	slt.u32 s8, $0xFFFFF086  }
0x1c: {  	p1 =	slt.u32 s9, $0xF7A;
	s5 =	simm.s32 @!p2 $0x0  }
0x1d: {  	s5 =	simm.s32 @p1 $0x1;
	p0 =	seq.s32 s7, s2  }
0x1e: {  	s7 =	smul.u32 @!p0 $0xF7A, s2;
	p2 =	seq.s32 @!p0 s5, $0x0  }
0x1f: {  	s9 =	smul.u32 $0xF7A, s1;
	s8 =	simm.s32 @!p0 $0x1BF5;
	p2 =	por !p2, p0  }
0x20: {  	[sflag:s8] =	ssyncset.s32 @!p0 $0xFFFFF086;
	s6 =	sadd.s32 @!p0 s3, s7;
	s7 =	simm.s32 @!p0 $0x108  }
0x21: {  	s3 =	sadd.s32 s3, s9;
	s6 =	sadd.s32 @!p0 $0x88, s6;
	s7 =	simm.s32 @p2 $0x1082  }
0x22: {  	[simem:s7], [sflag:s8] =	dma.local @!p0 [hbm:s6], $0xF7A  }
0x23: {  	s9 =	sor.u32 $0xD0000000, s2;
	s6 =	simm.s32 $0x108;
	_ =	swait.ge @!p0 [sflag:s8], $0x0  }
0x24: {  	s3 =	sadd.s32 $0x88, s3;
	s6 =	simm.s32 @!p1 $0x1082;
	[sflag:s4] =	ssyncset.s32 $0xFFFFF086  }
0x25: {  	[simem:s6], [sflag:s4] =	dma.local [hbm:s3], $0xF7A  }
0x26: {  	[smem:$0x3F9B] =	sst s1;
	(tag) =	ssettag s2;
	_ =	strace s9  }
0x27: {  	s1 =	sld [smem:$0x3FAB]  }
0x28: {  	s2 =	sld [smem:$0x3FAC]  }
0x29: {  	s4 =	sld [smem:$0x3FAE]  }
0x2a: {  	p0 =	seq.s32 s5, $0x0;
	s5 =	sld [smem:$0x3FAF]  }
0x2b: {  	s6 =	sld [smem:$0x3FB0]  }
0x2c: {  	s7 =	sld [smem:$0x3FB1]  }
0x2d: {  	s3 =	simm.s32 $0x108;
	s8 =	sld [smem:$0x3FB2]  }
0x2e: {  	s3 =	simm.s32 @!p0 $0x1082;
	s9 =	sld [smem:$0x3FB3]  }
0x2f: {  	lr =	sadd.s32 s0, s3;
	s0 =	sld [smem:$0x3FAA]  }
0x30: {  	s3 =	sld [smem:$0x3FAD]  }
0x31: {  	[smem:$0x3FB6] =	sst s10  }
0x32: {  	s10 =	sld [smem:$0x3FB4];
	_ =	sdelay $0x3  }
0x33: {  	p0 =	seq.s32 s10, $0x1;
	s10 =	sld [smem:$0x3FB6];
	_ =	sdelay $0x3  }
0x34: {  	[smem:$0x3FB6] =	sst s10  }
0x35: {  	s10 =	sld [smem:$0x3FB5];
	_ =	sdelay $0x3  }
0x36: {  	p1 =	seq.s32 s10, $0x1;
	s10 =	sld [smem:$0x3FB6];
	_ =	sdelay $0x3  }
0x37: {  	[smem:$0x3FB6] =	sst s10  }
0x38: {  	s10 =	sld [smem:$0x3FB7]  }
0x39: {  	_ = 	snop;
	(pc) =	sbr.ind lr, $3  }
0x3a: {  	_ = 	snop  }
0x3b: {  	_ = 	snop  }
0x3c: {  	p2 =	seq.s32 s10, $0x1;
	s10 =	sld [smem:$0x3FB6]  }
0x3d: {  	_ =	shalt  }
0x3e: {  	_ =	shalt  }
0x3f: {  	_ =	shalt  }
0x40: {  	_ =	shalt  }
0x41: {  	_ =	shalt  }
0x42: {  	_ =	shalt  }
0x43: {  	_ =	shalt  }
0x44: {  	_ =	shalt  }
0x45: {  	_ =	shalt  }
0x46: {  	_ =	shalt  }
0x47: {  	_ =	shalt  }
0x48: {  	_ =	shalt  }
0x49: {  	_ =	shalt  }
0x4a: {  	_ =	shalt  }
0x4b: {  	_ =	shalt  }
0x4c: {  	_ =	shalt  }
0x4d: {  	_ =	shalt  }
0x4e: {  	_ =	shalt  }
0x4f: {  	_ =	shalt  }
0x50: {  	_ =	shalt  }
0x51: {  	_ =	shalt  }
0x52: {  	_ =	shalt  }
0x53: {  	_ =	shalt  }
0x54: {  	_ =	shalt  }
0x55: {  	_ =	shalt  }
0x56: {  	_ =	shalt  }
0x57: {  	_ =	shalt  }
0x58: {  	_ =	shalt  }
0x59: {  	_ =	shalt  }
0x5a: {  	_ =	shalt  }
0x5b: {  	_ =	shalt  }
0x5c: {  	_ =	shalt  }
0x5d: {  	_ =	shalt  }
0x5e: {  	_ =	shalt  }
0x5f: {  	_ =	shalt  }
0x60: {  	_ =	shalt  }
0x61: {  	_ =	shalt  }
0x62: {  	_ =	shalt  }
0x63: {  	_ =	shalt  }
0x64: {  	_ =	shalt  }
0x65: {  	_ =	shalt  }
0x66: {  	_ =	shalt  }
0x67: {  	_ =	shalt  }
0x68: {  	_ =	shalt  }
0x69: {  	_ =	shalt  }
0x6a: {  	_ =	shalt  }
0x6b: {  	_ =	shalt  }
0x6c: {  	_ =	shalt  }
0x6d: {  	_ =	shalt  }
0x6e: {  	_ =	shalt  }
0x6f: {  	_ =	shalt  }
0x70: {  	_ =	shalt  }
0x71: {  	_ =	shalt  }
0x72: {  	_ =	shalt  }
0x73: {  	_ =	shalt  }
0x74: {  	_ =	shalt  }
0x75: {  	_ =	shalt  }
0x76: {  	_ =	shalt  }
0x77: {  	_ =	shalt  }
0x78: {  	_ =	shalt  }
0x79: {  	_ =	shalt  }
0x7a: {  	_ =	shalt  }
0x7b: {  	_ =	shalt  }
0x7c: {  	_ =	shalt  }
0x7d: {  	_ =	shalt  }
0x7e: {  	_ =	shalt  }
0x7f: {  	_ =	shalt  }
0x80: {  	_ =	shalt  }
0x81: {  	_ =	shalt  }
0x82: {  	_ =	shalt  }
0x83: {  	_ =	shalt  }
0x84: {  	_ =	shalt  }
0x85: {  	_ =	shalt  }
0x86: {  	_ =	shalt  }
0x87: {  	_ =	shalt  }
.Lfunc_end0:
.L_simem_size_0:
called_computation.1_lowered:
.L_overlay_start_0:
0x88: {  	s2 =	sld [smem:$0x3FD9]  }
0x89: {  	s3 =	sld [smem:$0x3FFE];
	_ =	sdelay $0x1  }
0x8a: {  	s1 =	srdreg.scid  }
0x8b: {  	s0 =	sand.u32 $0x1, s1  }
0x8c: {  	s17 =	sshll.u32 s0, $0xA;
	s2 =	sadd.s32 s3, s2  }
0x8d: {  	s2 =	sadd.s32 s2, s17  }
0x8e: {  	[smem:$0x3FC2] =	sst s2  }
0x8f: {  	_ = 	snop  }
0x90: {  	s2 =	sld [smem:$0x3FD0];
	(tm) =	ssettm $0x1  }
0x91: {  	s18 =	sld [smem:$0x3FFB];
	_ =	sdelay $0x3  }
0x92: {  	_ =	strace s18  }
0x93: {  	s3 =	sld [smem:$0x3FFC];
	_ =	sdelay $0x3  }
0x94: {  	_ =	strace s3  }
0x95: {  	s3 =	sld [smem:$0x3FFD];
	_ =	sdelay $0x3  }
0x96: {  	_ =	strace s3  }
0x97: {  	_ =	strace $0x8FFFFFFF  }
0x98: {  	s19 =	sld [smem:$0x3FDB];
	_ =	sdelay $0x1  }
0x99: {  	s4 =	simm.s32 $_scs_section_size  }
0x9a: {  	s5 =	simm.s32 $_size__tile_overlayer_lowered;
	s6 =	simm.s32 $_tile_overlayer_lowered  }
0x9b: {  	s22 =	simm.s32 $0x1BFF;
	s21 =	sshll.u32 s6, $0x1;
	s3 =	sadd.s32 s4, s19  }
0x9c: {  	s7 =	simm.s32 $0x0;
	s20 =	sshll.u32 s5, $0x1;
	s5 =	sadd.s32 s21, s3  }
0x9d: {  	[timem:s7], [sflag:s22] =	dma.local [hbm:s5], s20  }
0x9e: {  	_ =	swait.ge [sflag:s22], s20  }
0x9f: {  	s4 =	ssub.s32 $0x0, s20;
	[sflag:s22] =	ssyncset.done $0x0  }
0xa0: {  	[sflag:s22] =	ssyncadd.s32 s4;
	_ =	sdelay $0x1  }
0xa1: {  	s23 =	simm.s32 $0x1B8B  }
0xa2: {  	_ =	swait.ge [sflag:s23], $0x1  }
0xa3: {  	[sflag:s23] =	ssyncset.done $0x0  }
0xa4: {  	s25 =	simm.s32 $0x1B8E;
	s24 =	sld [smem:$0x3FFE];
	[sflag:s23] =	ssyncadd.s32 $0xFFFFFFFF  }
0xa5: {  	s26 =	simm.s32 $execute0_lowered;
	[smem:$0x3FD2] =	sst s25  }
0xa6: {  	s5 =	sshll.u32 s26, $0x1;
	_ =	strace $0x80000049;
	[dreg:$0x1] =	wrdreg $0xFFFFFFFF  }
0xa7: {  	s28 =	simm.s32 $_size_execute0_lowered;
	s3 =	sadd.s32 s3, s5;
	[dreg:$0x0] =	wrdreg $0x0  }
0xa8: {  	s5 =	sshll.u32 s28, $0x1;
	[dreg:$0x2] =	wrdreg s3  }
0xa9: {  	[dreg:$0x3] =	wrdreg s5  }
0xaa: {  	[dreg:$0x4] =	wrdreg $0xC0  }
0xab: {  	_ =	task [dreg:s7], $0x5FFFF  }
0xac: {  	[dreg:$0x1] =	wrdreg $0xFFFFFFFF  }
0xad: {  	[dreg:$0x0] =	wrdreg $0x60  }
0xae: {  	[dreg:$0x2] =	wrdreg s24  }
0xaf: {  	[dreg:$0x3] =	wrdreg s2  }
0xb0: {  	[dreg:$0x4] =	wrdreg $0x0  }
0xb1: {  	[dreg:$0x5] =	wrdreg $0x9  }
0xb2: {  	_ =	task.clear_ibuf [dreg:s7], $0x6FFFF;
	_ =	strace $0x90000049  }
0xb3: {  	s29 =	simm.s32 $0x9;
	_ =	strace $0x8000004B  }
0xb4: {  	_ =	swait.ge [sflag:s29], $0x1  }
0xb5: {  	[sflag:s29] =	ssyncadd.s32 $0xFFFFFFFF  }
0xb6: {  	_ =	strace $0x9000004B  }
0xb7: {  	_ =	sfence  }
0xb8: {  	s30 =	sld [smem:$0x0];
	_ =	sdelay $0x2  }
0xb9: {  	s31 =	sshll.u32 s1, $0xD;
	s1 =	sshrl.u32 s1, $0x2  }
0xba: {  	s3 =	sand.u32 $0x4000, s31;
	s1 =	sadd.s32 s1, s30  }
0xbb: {  	s0 =	sor.u32 s3, s0;
	s1 =	sshll.u32 s1, $0x11  }
0xbc: {  	s0 =	sor.u32 s1, s0  }
0xbd: {  	s0 =	sadd.s32 $0x8F2B, s0  }
0xbe: {  	[sflag:s0] =	ssyncadd.remote.s32 $0x1  }
0xbf: {  	_ =	sfence.sel $0xFFFF  }
0xc0: {  	[dreg:$0x0] =	wrdreg $0xFFFFFFFF;
	(pc) =	sbr.abs _section_cstart, $3  }
0xc1: {  	[dreg:$0x1] =	wrdreg $0xFFFFFFFF  }
0xc2: {  	_ =	task.clear_ibuf [dreg:s7], $0x2FFFF;
	_ =	strace $0x9FFFFFFF  }
0xc3: {  	(tm) =	ssettm $0x7FFFFFFF  }
tec
execute0_lowered:
.L_overlay_start_1:
0x0: {  	(tag) =	ssettag $0x1  }
0x1: {  	s0 =	rddreg [dreg:$0x0]  }
0x2: {  	s2 =	rddreg [dreg:$0x1]  }
0x3: {  	s1 =	rddreg [dreg:$0x2]  }
0x4: {  	s3 =	srdreg.scid;
	s13 =	stileid.u32  }
0x5: {  	s28 =	simm.s32 $0x13880;
	s29 =	simm.s32 $0xA;
	s12 =	smul.u32 $0x14000, s13  }
0x6: {  	s31 =	simm.s32 $0x1B080;
	s5 =	sand.u32 $0x1, s3;
	s26 =	smul.u32 $0x50000, s13  }
0x7: {  	s3 =	simm.s32 $0x0;
	s7 =	sadd.s32 $0x15600, s0;
	s20 =	smul.u32 $0x2710, s13  }
0x8: {  	s15 =	sor.u32 $0x70, s13;
	p1 =	seq.s32 s13, $0xF;
	s10 =	smul.u32 $0x138800, s5  }
0x9: {  	s4 =	sshll.u32 s5, $0x4;
	[smem:$0x7FF] =	sst s3;
	s16 =	smul.u32 $0xA000, s15  }
0xa: {  	s9 =	ssub.s32 $0x2, s5;
	s5 =	smul.u32 $0x27100, s5;
	p0 =	sgt.u32 s15, $0x7C  }
0xb: {  	s15 =	simm.s32 $0x4;
	s6 =	sor.u32 s13, s4;
	_ =	strace $0x8000004A  }
0xc: {  	s4 =	sadd.s32 $0x1B9400, s0;
	s0 =	sadd.s32 $0x1F400, s0;
	s11 =	sshrl.u32 s9, $0x1  }
0xd: {  	s8 =	smul.u32 $0x2710, s6;
	s9 =	ssub.s32 s9, s11;
	s6 =	sshll.u32 s6, $0xB  }
0xe: {  	s25 =	sadd.s32 s12, s10;
	s10 =	sshrl.u32 s10, $0x3;
	s11 =	smul.u32 $0xA000, s13  }
0xf: {  	s24 =	sadd.s32 s20, s5;
	s13 =	simm.s32 $0x18880;
	s2 =	sadd.s32 s2, s6  }
0x10: {  	s6 =	sshrl.u32 s25, $0x3;
	s9 =	smax.u32 s9, $0x1;
	s5 =	sadd.s32 $0x230, s24  }
0x11: {  	s8 =	sshrl.u32 s8, $0x3;
	[dreg:$0x4] =	wrdreg s2;
	s2 =	sadd.s32 s0, s6  }
0x12: {  	s0 =	sadd.s32 s0, s10;
	s12 =	sshrl.u32 s11, $0x2;
	[dreg:$0x8] =	wrdreg s9  }
0x13: {  	s9 =	sadd.s32 $0x1E0, s24;
	s5 =	sshrl.u32 s5, $0x3;
	s6 =	simm.s32 $0x50  }
0x14: {  	s11 =	simm.s32 $0x1;
	s14 =	sadd.s32 s7, s8;
	s8 =	sshrl.u32 s26, $0x2  }
0x15: {  	[dreg:$0x6] =	wrdreg s2;
	s0 =	sadd.s32 $0x25800, s0;
	s10 =	sadd.s32 s12, s1  }
0x16: {  	s9 =	sshrl.u32 s9, $0x3;
	s30 =	sadd.s32 $0xA, s14;
	[dreg:$0x7] =	wrdreg s0  }
0x17: {  	s12 =	simm.s32 $0x9;
	s17 =	sadd.s32 $0x28000, s10;
	[dreg:$0x5] =	wrdreg s30  }
0x18: {  	s2 =	sadd.s32 s8, s1;
	s18 =	sadd.s32 $0x50000, s10;
	[dreg:$0x9] =	wrdreg s17  }
0x19: {  	s8 =	sadd.s32 $0x12C000, s1;
	s19 =	sadd.s32 $0x78000, s10;
	[dreg:$0xa] =	wrdreg s18  }
0x1a: {  	s21 =	sadd.s32 $0xA0000, s10;
	s22 =	sadd.s32 $0xC8000, s10;
	[dreg:$0xb] =	wrdreg s19  }
0x1b: {  	s0 =	sshrl.u32 s16, $0x2;
	s23 =	sadd.s32 $0xF0000, s10;
	[dreg:$0xc] =	wrdreg s21  }
0x1c: {  	s20 =	sadd.s32 s9, s7;
	s25 =	sadd.s32 $0x14, s14;
	[dreg:$0xd] =	wrdreg s22  }
0x1d: {  	s26 =	sadd.s32 $0x1E, s14;
	s9 =	simm.s32 $0x1B180;
	[dreg:$0xe] =	wrdreg s23  }
0x1e: {  	s16 =	simm.s32 $0x3;
	s0 =	sadd.s32 s0, s1;
	[dreg:$0x10] =	wrdreg s25  }
0x1f: {  	s19 =	sadd.s32 s5, s7;
	[dreg:$0x11] =	wrdreg s26;
	s26 =	smov.u32 s14  }
0x20: {  	s30 =	sadd.s32 $0x28, s14;
	s14 =	simm.s32 $0x2;
	s17 =	simm.s32 $0x5  }
0x21: {  	s18 =	simm.s32 $0x6;
	[dreg:$0xf] =	wrdreg s0;
	s0 =	sadd.s32 $0x190, s24  }
0x22: {  	s22 =	simm.s32 $0x0;
	[dreg:$0x14] =	wrdreg s30;
	s0 =	sshrl.u32 s0, $0x3  }
0x23: {  	s21 =	sadd.s32 s0, s7;
	s0 =	sshrl.u32 @p1 s8, $0x3;
	s7 =	simm.s32 $0x8  }
0x24: {  	s8 =	simm.s32 $0x16080;
	[dreg:$0x12] =	wrdreg s0;
	s0 =	sshrl.u32 @!p1 s2, $0x3  }
0x25: {  	v0 =	vimm.f32 $0.0e+00;
	s2 =	simm.s32 $0x7;
	[dreg:$0x13] =	wrdreg s0;
	s0 =	simm.s32 $0x1B100  }
.LBB2_1:
0x26: {  	s5 =	simm.s32 $0x0;
	s23 =	simm.s32 $0x200  }
.LBB2_2:
0x27: {  	p2 =	sne.s32 s23, $0x9E00;
	[tilespmem:s5+$0x138F0] =	vst v0  }
0x28: {  	[tilespmem:s5+$0x13880] =	vst v0  }
0x29: {  	[tilespmem:s5+$0x13890] =	vst v0  }
.Ltmp0:
0x2a: {  	[tilespmem:s5+$0x138A0] =	vst v0;
	(pc) =	sbr.rel @p2 .LBB2_2-.Ltmp0, $4  }
0x2b: {  	[tilespmem:s5+$0x138B0] =	vst v0  }
0x2c: {  	[tilespmem:s5+$0x138C0] =	vst v0  }
0x2d: {  	[tilespmem:s5+$0x138D0] =	vst v0  }
0x2e: {  	[tilespmem:s5+$0x138E0] =	vst v0;
	s5 =	sshra.s32 s23, $0x2;
	s23 =	sadd.s32 $0x200, s23  }
0x2f: {  	[tilespmem:s5+$0x138F0] =	vst v0  }
0x30: {  	[tilespmem:s5+$0x13880] =	vst v0  }
0x31: {  	[tilespmem:s5+$0x13890] =	vst v0  }
0x32: {  	[tilespmem:s5+$0x138A0] =	vst v0  }
0x33: {  	[tilespmem:s5+$0x138B0] =	vst v0  }
0x34: {  	[tilespmem:s5+$0x138C0] =	vst v0  }
0x35: {  	[tilespmem:s5+$0x138D0] =	vst v0  }
0x36: {  	[tilespmem:s5+$0x138E0] =	vst v0  }
0x37: {  	[spmem:s10] =	stream.linear.scatter [tilespmem:s28], [sflag:$0xA], $0x2800, $0x38;
	[tilespmem:$0x1F200] =	vst v63  }
0x38: {  	_ =	swait.ge [sflag:s29], $0x2800  }
0x39: {  	[sflag:s29] =	ssyncset.done $0x0  }
0x3a: {  	s25 =	rddreg [dreg:$0x9];
	[sflag:s29] =	ssyncadd.s32 $0xFFFFD800  }
0x3b: {  	[spmem:s25] =	stream.linear.scatter [tilespmem:s28], [sflag:$0xA], $0x2800, $0x38;
	[tilespmem:$0x1F200] =	vst v63  }
0x3c: {  	_ =	swait.ge [sflag:s29], $0x2800  }
0x3d: {  	[sflag:s29] =	ssyncset.done $0x0  }
0x3e: {  	s23 =	rddreg [dreg:$0xa];
	[sflag:s29] =	ssyncadd.s32 $0xFFFFD800  }
0x3f: {  	[spmem:s23] =	stream.linear.scatter [tilespmem:s28], [sflag:$0xA], $0x2800, $0x38;
	[tilespmem:$0x1F200] =	vst v63  }
0x40: {  	_ =	swait.ge [sflag:s29], $0x2800  }
0x41: {  	[sflag:s29] =	ssyncset.done $0x0  }
0x42: {  	s24 =	rddreg [dreg:$0xb];
	[sflag:s29] =	ssyncadd.s32 $0xFFFFD800  }
0x43: {  	[spmem:s24] =	stream.linear.scatter [tilespmem:s28], [sflag:$0xA], $0x2800, $0x38;
	[tilespmem:$0x1F200] =	vst v63  }
0x44: {  	_ =	swait.ge [sflag:s29], $0x2800  }
0x45: {  	[sflag:s29] =	ssyncset.done $0x0  }
0x46: {  	s25 =	rddreg [dreg:$0xc];
	[sflag:s29] =	ssyncadd.s32 $0xFFFFD800  }
0x47: {  	[spmem:s25] =	stream.linear.scatter [tilespmem:s28], [sflag:$0xA], $0x2800, $0x38;
	[tilespmem:$0x1F200] =	vst v63  }
0x48: {  	_ =	swait.ge [sflag:s29], $0x2800  }
0x49: {  	[sflag:s29] =	ssyncset.done $0x0  }
0x4a: {  	s23 =	rddreg [dreg:$0xd];
	[sflag:s29] =	ssyncadd.s32 $0xFFFFD800  }
0x4b: {  	[spmem:s23] =	stream.linear.scatter [tilespmem:s28], [sflag:$0xA], $0x2800, $0x38;
	[tilespmem:$0x1F200] =	vst v63  }
0x4c: {  	_ =	swait.ge [sflag:s29], $0x2800  }
0x4d: {  	[sflag:s29] =	ssyncset.done $0x0  }
0x4e: {  	s24 =	rddreg [dreg:$0xe];
	[sflag:s29] =	ssyncadd.s32 $0xFFFFD800  }
0x4f: {  	[spmem:s24] =	stream.linear.scatter [tilespmem:s28], [sflag:$0xA], $0x2800, $0x38;
	[tilespmem:$0x1F200] =	vst v63  }
0x50: {  	_ =	swait.ge [sflag:s29], $0x2800  }
0x51: {  	[sflag:s29] =	ssyncset.done $0x0  }
0x52: {  	s5 =	simm.s32 @!p0 $0x13880;
	s23 =	rddreg [dreg:$0xf];
	[sflag:s29] =	ssyncadd.s32 $0xFFFFD800  }
0x53: {  	[spmem:s23] =	stream.linear.scatter @!p0 [tilespmem:s5], [sflag:$0xA], $0x2800, $0x38;
	[tilespmem:$0x1F200] =	vst v63  }
0x54: {  	s5 =	simm.s32 @!p0 $0xA  }
0x55: {  	_ =	swait.ge @!p0 [sflag:s5], $0x2800  }
0x56: {  	s24 =	simm.s32 $0x1B200;
	[sflag:s5] =	ssyncset.done @!p0 $0x0  }
0x57: {  	s25 =	rddreg [dreg:$0x4];
	[sflag:s5] =	ssyncadd.s32 @!p0 $0xFFFFD800;
	s5 =	simm.s32 $0x0  }
0x58: {  	[tilespmem:s24], [sflag:$0xA] =	stream.linear.gather [hbm4b:s25+s5], $0x3E80, $0x38;
	[tilespmem:$0x1F200] =	vst v63  }
0x59: {  	_ =	swait.ge [sflag:s29], $0x3E80  }
0x5a: {  	[sflag:s29] =	ssyncset.done $0x0  }
0x5b: {  	[sflag:s29] =	ssyncadd.s32 $0xFFFFC180  }
0x5c: {  	[bflag:$0x0] =	sbarrier.arrive $0xFFFF  }
0x5d: {  	[tilespmem:s31], [sflag:$0x7] =	stream.linear.gather [hbm4b:s26+s5], $0x50, $0x38;
	[tilespmem:$0x1F200] =	vst v63  }
0x5e: {  	s25 =	rddreg [dreg:$0x5]  }
0x5f: {  	[tilespmem:s0], [sflag:$0x8] =	stream.linear.gather [hbm4b:s25+s5], $0x50, $0x38;
	[tilespmem:$0x1F200] =	vst v63  }
0x60: {  	_ =	swait.ge [sflag:s2], $0x50  }
0x61: {  	[sflag:s2] =	ssyncset.done $0x0  }
0x62: {  	[sflag:s2] =	ssyncadd.s32 $0xFFFFFFB0  }
0x63: {  	[tilespmem:s28], [sflag:$0x1] =	stream.indirect.gather [hbm4b:s4+s6], $0x80, s31, s6, $0xb8;
	[tilespmem:$0x1F200] =	vst v63  }
0x64: {  	_ =	swait.ge [sflag:s7], $0x50  }
0x65: {  	[sflag:s7] =	ssyncset.done $0x0  }
0x66: {  	[sflag:s7] =	ssyncadd.s32 $0xFFFFFFB0  }
0x67: {  	[tilespmem:s8], [sflag:$0x2] =	stream.indirect.gather [hbm4b:s4+s6], $0x80, s0, s6, $0xb8;
	[tilespmem:$0x1F200] =	vst v63  }
0x68: {  	s25 =	rddreg [dreg:$0x10]  }
0x69: {  	[tilespmem:s9], [sflag:$0x9] =	stream.linear.gather [hbm4b:s25+s5], $0x50, $0x38;
	[tilespmem:$0x1F200] =	vst v63  }
0x6a: {  	_ =	swait.ge [sflag:s11], $0x2800  }
0x6b: {  	[sflag:s11] =	ssyncset.done $0x0  }
0x6c: {  	[sflag:s11] =	ssyncadd.s32 $0xFFFFD800  }
0x6d: {  	[spmem:s1] =	stream.indirect.scatter.add.f32 [tilespmem:s28], [sflag:$0x4], $0x80, s24, s6, $0xb8;
	[tilespmem:$0x1F200] =	vst v63  }
0x6e: {  	_ =	swait.ge [sflag:s12], $0x50  }
0x6f: {  	[sflag:s12] =	ssyncset.done $0x0  }
0x70: {  	[sflag:s12] =	ssyncadd.s32 $0xFFFFFFB0  }
0x71: {  	[tilespmem:s13], [sflag:$0x3] =	stream.indirect.gather [hbm4b:s4+s6], $0x80, s9, s6, $0xb8;
	[tilespmem:$0x1F200] =	vst v63  }
0x72: {  	s25 =	rddreg [dreg:$0x11]  }
0x73: {  	[tilespmem:s31], [sflag:$0x7] =	stream.linear.gather [hbm4b:s25+s5], $0x50, $0x38;
	[tilespmem:$0x1F200] =	vst v63  }
0x74: {  	_ =	swait.ge [sflag:s14], $0x2800  }
0x75: {  	[sflag:s14] =	ssyncset.done $0x0  }
0x76: {  	s24 =	simm.s32 $0x1B280;
	[sflag:s14] =	ssyncadd.s32 $0xFFFFD800  }
0x77: {  	[spmem:s1] =	stream.indirect.scatter.add.f32 [tilespmem:s8], [sflag:$0x5], $0x80, s24, s6, $0xb8;
	[tilespmem:$0x1F200] =	vst v63  }
0x78: {  	_ =	swait.ge [sflag:s15], $0x2800  }
0x79: {  	[sflag:s15] =	ssyncset.done $0x0  }
0x7a: {  	[sflag:s15] =	ssyncadd.s32 $0xFFFFD800  }
0x7b: {  	_ =	swait.ge [sflag:s2], $0x50  }
0x7c: {  	[sflag:s2] =	ssyncset.done $0x0  }
0x7d: {  	[sflag:s2] =	ssyncadd.s32 $0xFFFFFFB0  }
0x7e: {  	[tilespmem:s28], [sflag:$0x1] =	stream.indirect.gather [hbm4b:s4+s6], $0x80, s31, s6, $0xb8;
	[tilespmem:$0x1F200] =	vst v63  }
0x7f: {  	s25 =	rddreg [dreg:$0x14]  }
0x80: {  	[tilespmem:s0], [sflag:$0x8] =	stream.linear.gather [hbm4b:s25+s5], $0x50, $0x38;
	[tilespmem:$0x1F200] =	vst v63  }
0x81: {  	_ =	swait.ge [sflag:s16], $0x2800  }
0x82: {  	[sflag:s16] =	ssyncset.done $0x0  }
0x83: {  	s23 =	simm.s32 $0x1B300;
	[sflag:s16] =	ssyncadd.s32 $0xFFFFD800  }
0x84: {  	[spmem:s1] =	stream.indirect.scatter.add.f32 [tilespmem:s13], [sflag:$0x6], $0x80, s23, s6, $0xb8;
	[tilespmem:$0x1F200] =	vst v63  }
0x85: {  	_ =	swait.ge [sflag:s17], $0x2800  }
0x86: {  	[sflag:s17] =	ssyncset.done $0x0  }
0x87: {  	[sflag:s17] =	ssyncadd.s32 $0xFFFFD800  }
0x88: {  	_ =	swait.ge [sflag:s7], $0x50  }
0x89: {  	[sflag:s7] =	ssyncset.done $0x0  }
0x8a: {  	[sflag:s7] =	ssyncadd.s32 $0xFFFFFFB0  }
0x8b: {  	[tilespmem:s8], [sflag:$0x2] =	stream.indirect.gather [hbm4b:s4+s6], $0x80, s0, s6, $0xb8;
	[tilespmem:$0x1F200] =	vst v63  }
0x8c: {  	s24 =	sadd.s32 $0x0, s21  }
0x8d: {  	[tilespmem:s9], [sflag:$0x9] =	stream.linear.gather [hbm4b:s24+s3], $0x50, $0x38;
	[tilespmem:$0x1F200] =	vst v63  }
0x8e: {  	_ =	swait.ge [sflag:s11], $0x2800  }
0x8f: {  	[sflag:s11] =	ssyncset.done $0x0  }
0x90: {  	s25 =	simm.s32 $0x1B380;
	[sflag:s11] =	ssyncadd.s32 $0xFFFFD800  }
0x91: {  	[spmem:s1] =	stream.indirect.scatter.add.f32 [tilespmem:s28], [sflag:$0x4], $0x80, s25, s6, $0xb8;
	[tilespmem:$0x1F200] =	vst v63  }
0x92: {  	_ =	swait.ge [sflag:s18], $0x2800  }
0x93: {  	[sflag:s18] =	ssyncset.done $0x0  }
0x94: {  	[sflag:s18] =	ssyncadd.s32 $0xFFFFD800  }
0x95: {  	_ =	swait.ge [sflag:s12], $0x50  }
0x96: {  	[sflag:s12] =	ssyncset.done $0x0  }
0x97: {  	[sflag:s12] =	ssyncadd.s32 $0xFFFFFFB0  }
0x98: {  	[tilespmem:s13], [sflag:$0x3] =	stream.indirect.gather [hbm4b:s4+s6], $0x80, s9, s6, $0xb8;
	[tilespmem:$0x1F200] =	vst v63  }
0x99: {  	s23 =	sadd.s32 $0x0, s20  }
0x9a: {  	[tilespmem:s31], [sflag:$0x7] =	stream.linear.gather [hbm4b:s23+s3], $0x50, $0x38;
	[tilespmem:$0x1F200] =	vst v63  }
0x9b: {  	_ =	swait.ge [sflag:s14], $0x2800  }
0x9c: {  	[sflag:s14] =	ssyncset.done $0x0  }
0x9d: {  	s24 =	simm.s32 $0x1B400;
	[sflag:s14] =	ssyncadd.s32 $0xFFFFD800  }
0x9e: {  	[spmem:s1] =	stream.indirect.scatter.add.f32 [tilespmem:s8], [sflag:$0x5], $0x80, s24, s6, $0xb8;
	[tilespmem:$0x1F200] =	vst v63  }
0x9f: {  	_ =	swait.ge [sflag:s15], $0x2800  }
0xa0: {  	[sflag:s15] =	ssyncset.done $0x0  }
0xa1: {  	[sflag:s15] =	ssyncadd.s32 $0xFFFFD800  }
0xa2: {  	_ =	swait.ge [sflag:s2], $0x50  }
0xa3: {  	[sflag:s2] =	ssyncset.done $0x0  }
0xa4: {  	[sflag:s2] =	ssyncadd.s32 $0xFFFFFFB0  }
0xa5: {  	[tilespmem:s28], [sflag:$0x1] =	stream.indirect.gather [hbm4b:s4+s6], $0x80, s31, s6, $0xb8;
	[tilespmem:$0x1F200] =	vst v63  }
0xa6: {  	s25 =	sadd.s32 $0x0, s19  }
0xa7: {  	[tilespmem:s0], [sflag:$0x8] =	stream.linear.gather [hbm4b:s25+s3], $0x50, $0x38;
	[tilespmem:$0x1F200] =	vst v63  }
0xa8: {  	_ =	swait.ge [sflag:s16], $0x2800  }
0xa9: {  	s30 =	simm.s32 $0x1B600;
	[sflag:s16] =	ssyncset.done $0x0  }
0xaa: {  	s5 =	simm.s32 $0x1B480;
	s23 =	simm.s32 $0x1E;
	[sflag:s16] =	ssyncadd.s32 $0xFFFFD800  }
.LBB2_4:
0xab: {  	[spmem:s1] =	stream.indirect.scatter.add.f32 [tilespmem:s13], [sflag:$0x6], $0x80, s5, s6, $0xb8;
	[tilespmem:$0x1F200] =	vst v63  }
0xac: {  	s24 =	smov.u32 s23;
	s5 =	smov.u32 s30  }
0xad: {  	p2 =	sne.s32 s23, $0x492;
	s23 =	sadd.s32 $0x1E, s23;
	_ =	swait.ge [sflag:s17], $0x2800  }
0xae: {  	[sflag:s17] =	ssyncset.done $0x0  }
0xaf: {  	[sflag:s17] =	ssyncadd.s32 $0xFFFFD800  }
0xb0: {  	_ =	swait.ge [sflag:s7], $0x50  }
0xb1: {  	[sflag:s7] =	ssyncset.done $0x0  }
0xb2: {  	[sflag:s7] =	ssyncadd.s32 $0xFFFFFFB0  }
0xb3: {  	[tilespmem:s8], [sflag:$0x2] =	stream.indirect.gather [hbm4b:s4+s6], $0x80, s0, s6, $0xb8;
	[tilespmem:$0x1F200] =	vst v63  }
0xb4: {  	s25 =	sadd.s32 s24, s21  }
0xb5: {  	[tilespmem:s9], [sflag:$0x9] =	stream.linear.gather [hbm4b:s25+s3], $0x50, $0x38;
	[tilespmem:$0x1F200] =	vst v63  }
0xb6: {  	_ =	swait.ge [sflag:s11], $0x2800  }
0xb7: {  	[sflag:s11] =	ssyncset.done $0x0  }
0xb8: {  	s25 =	sadd.s32 $0xFFFFFF00, s30;
	[sflag:s11] =	ssyncadd.s32 $0xFFFFD800  }
0xb9: {  	[spmem:s1] =	stream.indirect.scatter.add.f32 [tilespmem:s28], [sflag:$0x4], $0x80, s25, s6, $0xb8;
	[tilespmem:$0x1F200] =	vst v63  }
0xba: {  	_ =	swait.ge [sflag:s18], $0x2800  }
0xbb: {  	[sflag:s18] =	ssyncset.done $0x0  }
0xbc: {  	[sflag:s18] =	ssyncadd.s32 $0xFFFFD800  }
0xbd: {  	_ =	swait.ge [sflag:s12], $0x50  }
0xbe: {  	[sflag:s12] =	ssyncset.done $0x0  }
0xbf: {  	[sflag:s12] =	ssyncadd.s32 $0xFFFFFFB0  }
0xc0: {  	[tilespmem:s13], [sflag:$0x3] =	stream.indirect.gather [hbm4b:s4+s6], $0x80, s9, s6, $0xb8;
	[tilespmem:$0x1F200] =	vst v63  }
0xc1: {  	s25 =	sadd.s32 s24, s20  }
0xc2: {  	[tilespmem:s31], [sflag:$0x7] =	stream.linear.gather [hbm4b:s25+s3], $0x50, $0x38;
	[tilespmem:$0x1F200] =	vst v63  }
0xc3: {  	_ =	swait.ge [sflag:s14], $0x2800  }
0xc4: {  	[sflag:s14] =	ssyncset.done $0x0  }
0xc5: {  	s25 =	sadd.s32 $0xFFFFFF80, s30;
	[sflag:s14] =	ssyncadd.s32 $0xFFFFD800  }
0xc6: {  	[spmem:s1] =	stream.indirect.scatter.add.f32 [tilespmem:s8], [sflag:$0x5], $0x80, s25, s6, $0xb8;
	[tilespmem:$0x1F200] =	vst v63  }
0xc7: {  	_ =	swait.ge [sflag:s15], $0x2800  }
0xc8: {  	[sflag:s15] =	ssyncset.done $0x0  }
0xc9: {  	[sflag:s15] =	ssyncadd.s32 $0xFFFFD800  }
0xca: {  	_ =	swait.ge [sflag:s2], $0x50  }
0xcb: {  	[sflag:s2] =	ssyncset.done $0x0  }
0xcc: {  	[sflag:s2] =	ssyncadd.s32 $0xFFFFFFB0  }
0xcd: {  	[tilespmem:s28], [sflag:$0x1] =	stream.indirect.gather [hbm4b:s4+s6], $0x80, s31, s6, $0xb8;
	[tilespmem:$0x1F200] =	vst v63  }
.Ltmp1:
0xce: {  	s24 =	sadd.s32 s24, s19;
	(pc) =	sbr.rel @p2 .LBB2_4-.Ltmp1, $4  }
0xcf: {  	[tilespmem:s0], [sflag:$0x8] =	stream.linear.gather [hbm4b:s24+s3], $0x50, $0x38;
	[tilespmem:$0x1F200] =	vst v63  }
0xd0: {  	_ =	swait.ge [sflag:s16], $0x2800  }
0xd1: {  	[sflag:s16] =	ssyncset.done $0x0  }
0xd2: {  	s30 =	sadd.s32 $0x180, s30;
	[sflag:s16] =	ssyncadd.s32 $0xFFFFD800  }
0xd3: {  	[spmem:s1] =	stream.indirect.scatter.add.f32 [tilespmem:s13], [sflag:$0x6], $0x80, s5, s6, $0xb8;
	[tilespmem:$0x1F200] =	vst v63  }
0xd4: {  	_ =	swait.ge [sflag:s17], $0x2800  }
0xd5: {  	[sflag:s17] =	ssyncset.done $0x0  }
0xd6: {  	[sflag:s17] =	ssyncadd.s32 $0xFFFFD800  }
0xd7: {  	_ =	swait.ge [sflag:s7], $0x50  }
0xd8: {  	[sflag:s7] =	ssyncset.done $0x0  }
0xd9: {  	[sflag:s7] =	ssyncadd.s32 $0xFFFFFFB0  }
0xda: {  	[tilespmem:s8], [sflag:$0x2] =	stream.indirect.gather [hbm4b:s4+s6], $0x80, s0, s6, $0xb8;
	[tilespmem:$0x1F200] =	vst v63  }
0xdb: {  	_ =	swait.ge [sflag:s11], $0x2800  }
0xdc: {  	[sflag:s11] =	ssyncset.done $0x0  }
0xdd: {  	s24 =	simm.s32 $0x1EF80;
	[sflag:s11] =	ssyncadd.s32 $0xFFFFD800  }
0xde: {  	[spmem:s1] =	stream.indirect.scatter.add.f32 [tilespmem:s28], [sflag:$0x4], $0x80, s24, s6, $0xb8;
	[tilespmem:$0x1F200] =	vst v63  }
0xdf: {  	_ =	swait.ge [sflag:s18], $0x2800  }
0xe0: {  	[sflag:s18] =	ssyncset.done $0x0  }
0xe1: {  	[sflag:s18] =	ssyncadd.s32 $0xFFFFD800  }
0xe2: {  	_ =	swait.ge [sflag:s14], $0x2800  }
0xe3: {  	[sflag:s14] =	ssyncset.done $0x0  }
0xe4: {  	s25 =	simm.s32 $0x1F000;
	[sflag:s14] =	ssyncadd.s32 $0xFFFFD800  }
0xe5: {  	[spmem:s1] =	stream.indirect.scatter.add.f32 [tilespmem:s8], [sflag:$0x5], $0x80, s25, s6, $0xb8;
	[tilespmem:$0x1F200] =	vst v63  }
0xe6: {  	_ =	swait.ge [sflag:s15], $0x2800  }
0xe7: {  	[sflag:s15] =	ssyncset.done $0x0  }
0xe8: {  	[sflag:s15] =	ssyncadd.s32 $0xFFFFD800  }
0xe9: {  	_ =	swait.ge [sflag:s17], $0x2800  }
0xea: {  	[sflag:s17] =	ssyncset.done $0x0  }
0xeb: {  	[sflag:s17] =	ssyncadd.s32 $0xFFFFD800  }
0xec: {  	[bflag:$0x0] =	sbarrier.arrive $0xFFFF  }
0xed: {  	s23 =	rddreg [dreg:$0x7]  }
0xee: {  	s5 =	simm.s32 @p1 $0x1FCA;
	s24 =	rddreg [dreg:$0x12]  }
0xef: {  	[hbm:s23], [sflag:s5] =	dma.local @p1 [spmem:s24], $0x1900  }
0xf0: {  	s5 =	simm.s32 @p1 $0xA  }
0xf1: {  	s23 =	stileid.u32;
	_ =	swait.ge @p1 [sflag:s5], $0x1900  }
0xf2: {  	s23 =	sshll.u32 @!p1 s23, $0x6;
	[sflag:s5] =	ssyncset.done @p1 $0x0;
	s24 =	rddreg [dreg:$0x13]  }
0xf3: {  	[sflag:s5] =	ssyncadd.s32 @p1 $0xFFFFE700;
	s5 =	sor.u32 @!p1 $0x1C0A, s23;
	s23 =	rddreg [dreg:$0x6]  }
0xf4: {  	[hbm:s23], [sflag:s5] =	dma.local @!p1 [spmem:s24], $0x2800  }
0xf5: {  	s5 =	simm.s32 @!p1 $0xA  }
0xf6: {  	_ =	swait.ge @!p1 [sflag:s5], $0x2800  }
0xf7: {  	s22 =	sadd.s32 $0x1, s22;
	s30 =	rddreg [dreg:$0x8]  }
0xf8: {  	p2 =	sne.s32 s22, s30  }
.Ltmp2:
0xf9: {  	_ = 	snop;
	(pc) =	sbr.rel @p2 .LBB2_1-.Ltmp2, $3  }
0xfa: {  	_ =	sdelay $0x1  }
0xfb: {  	[sflag:s5] =	ssyncset.done @!p1 $0x0  }
0xfc: {  	[sflag:s5] =	ssyncadd.s32 @!p1 $0xFFFFD800  }
0xfd: {  	_ =	sfence.sel $0x180000  }
0xfe: {  	[bflag:$0x0] =	sbarrier.arrive $0xFFFF  }
0xff: {  	_ =	strace $0x9000004A  }
0x100: {  	s0 =	stileid.u32;
	[bflag:$0x2] =	sbarrier.arrive $0xFFFF  }
0x101: {  	p0 =	sne.s32 s0, $0x0;
	s0 =	rddreg [dreg:$0x3]  }
0x102: {  	s0 =	sadd.s32 @!p0 $0x100000, s0  }
0x103: {  	[sflag:s0] =	ssyncadd.tile.s32 @!p0 $0x1;
	_ =	shalt  }
.Lfunc_end2:
_tile_overlayer_lowered:
.L_overlay_start_2:
0x104: {  	(tag) =	ssettag $0x2  }
0x105: {  	s0 =	rddreg [dreg:$0x0];
	s2 =	stileid.u32  }
0x106: {  	s1 =	rddreg [dreg:$0x1];
	p0 =	sne.s32 s2, $0x0  }
0x107: {  	s3 =	rddreg [dreg:$0x2];
	[bflag:$0x3] =	sbarrier.arrive $0xFFFF;
	s2 =	simm.s32 @!p0 $0x1C0A  }
0x108: {  	[timem:s3], [sflag:s2] =	dma.local @!p0 [hbm:s0], s1  }
0x109: {  	s0 =	simm.s32 @!p0 $0xA  }
0x10a: {  	_ =	swait.ge @!p0 [sflag:s0], s1  }
0x10b: {  	s1 =	ssub.s32 @!p0 $0x0, s1;
	[sflag:s0] =	ssyncset.done @!p0 $0x0  }
0x10c: {  	[sflag:s0] =	ssyncadd.s32 @!p0 s1  }
0x10d: {  	[bflag:$0x3] =	sbarrier.arrive $0xFFFF  }
0x10e: {  	_ =	shalt  }

</sc_bundles>
